<compile_context>
chip_gen: v7x
topology: tpu7x:2x2x1
jax: 0.10.2.dev20260603
libtpu: 0.0.44.dev20260713+nightly
codegen_flags: <defaults>
</compile_context>

<pallas_src>
import jax
import jax.numpy as jnp
from jax import lax
from jax.experimental import pallas as pl
from jax.experimental.pallas import tpu as pltpu
from jax.experimental.pallas import tpu_sc as plsc

N = 10000
E = 320000
C = 128
NTILE = 16
NPAD = 10240
NSLC = NPAD // NTILE
EPT = E // NTILE
B = 128
NFULL = EPT // B
TAIL = EPT - NFULL * B
CG = 4


def _sc_body(feat2, src_hbm, dst_hbm, eps_r, out_r,
             eps_v, rows_v, msg_v, src_v, dst_v, dst_lo, dst_hi, ones_v, zer_v,
             epst_v, rowst_v, msgt_v, srct_v, dstt_v,
             deg_sm, s_sh, t_sh, deg_sh,
             sem_a, sem_b, sem_c, sem_g, sem_h, sem_x, sem_y, sem_y2, sem_z):
  core = lax.axis_index("c")
  sub = lax.axis_index("s")
  ch0 = core * 64
  n0 = sub * NSLC
  e_base = sub * EPT
  offv = jnp.full((16,), core * NPAD, jnp.int32)

  @plsc.parallel_loop(0, B)
  def _z(r):
    for j in range(CG):
      msg_v[r, pl.ds(j * 16, 16)] = jnp.zeros((16,), jnp.float32)

  @plsc.parallel_loop(0, 40)
  def _z1(i):
    zer_v[pl.ds(i * 16, 16)] = jnp.zeros((16,), jnp.float32)

  @plsc.parallel_loop(0, B // 16)
  def _z2(i):
    ones_v[pl.ds(i * 16, 16)] = jnp.ones((16,), jnp.float32)

  def _init(q, _):
    off = n0 + q * B
    pltpu.sync_copy(msg_v, s_sh.at[pl.ds(off, B)])
    pltpu.sync_copy(msg_v, t_sh.at[pl.ds(off, B)])
    return 0
  lax.fori_loop(0, NSLC // B, _init, 0)
  pltpu.sync_copy(zer_v.at[pl.ds(0, NSLC)], deg_sh.at[pl.ds(n0, NSLC)])

  plsc.subcore_barrier()

  def _issue_eps(kk):
    e0 = jnp.where(kk < NFULL, e_base + kk * B, e_base)
    base = (kk % 2) * B
    pltpu.async_copy(
        eps_r.at[pl.ds(e0, B), pl.ds(ch0, 64)], eps_v.at[pl.ds(base, B)],
        sem_c)

  def _drain_eps():
    pltpu.make_async_copy(
        eps_r.at[pl.ds(e_base, B), pl.ds(ch0, 64)],
        eps_v.at[pl.ds(0, B)], sem_c).wait()

  _issue_eps(0)

  def _chunk(k, _):
    e0 = e_base + k * B
    base = (k % 2) * B
    la = pltpu.async_copy(src_hbm.at[pl.ds(e0, B)], src_v, sem_a)
    lb = pltpu.async_copy(dst_hbm.at[pl.ds(e0, B)], dst_v, sem_b)
    la.wait()

    @plsc.parallel_loop(0, B // 16)
    def _o(i):
      src_v[pl.ds(i * 16, 16)] = src_v[pl.ds(i * 16, 16)] + offv

    g = pltpu.async_copy(
        feat2.at[src_v.at[pl.ds(0, B // 2)]],
        rows_v.at[pl.ds(0, B // 2)], sem_g)
    g2 = pltpu.async_copy(
        feat2.at[src_v.at[pl.ds(B // 2, B // 2)]],
        rows_v.at[pl.ds(B // 2, B // 2)], sem_h)
    _drain_eps()

    @plsc.parallel_loop(0, B, unroll=4)
    def _compute_w(r):
      for j in range(CG):
        eps_v[base + r, pl.ds(j * 16, 16)] = jnp.maximum(
            eps_v[base + r, pl.ds(j * 16, 16)] + 1.0, 0.0)

    lb.wait()

    @plsc.parallel_loop(0, 4)
    def _cp(i):
      dst_lo[pl.ds(i * 16, 16)] = dst_v[pl.ds(i * 16, 16)]
      dst_hi[pl.ds(i * 16, 16)] = dst_v[pl.ds(64 + i * 16, 16)]

    sx = pltpu.async_copy(
        eps_v.at[pl.ds(base, B)], s_sh.at[dst_v], sem_x, add=True)
    sz = pltpu.async_copy(ones_v, deg_sh.at[dst_v], sem_z, add=True)
    _issue_eps(k + 1)
    g.wait()
    g2.wait()

    @plsc.parallel_loop(0, B // 2, unroll=4)
    def _compute_m(r):
      for j in range(CG):
        msg_v[r, pl.ds(j * 16, 16)] = (
            eps_v[base + r, pl.ds(j * 16, 16)] * rows_v[r, pl.ds(j * 16, 16)])

    sy = pltpu.async_copy(
        msg_v.at[pl.ds(0, B // 2)], t_sh.at[dst_lo], sem_y, add=True)

    @plsc.parallel_loop(B // 2, B, unroll=4)
    def _compute_m2(r):
      for j in range(CG):
        msg_v[r, pl.ds(j * 16, 16)] = (
            eps_v[base + r, pl.ds(j * 16, 16)] * rows_v[r, pl.ds(j * 16, 16)])

    sy2 = pltpu.async_copy(
        msg_v.at[pl.ds(B // 2, B // 2)], t_sh.at[dst_hi], sem_y2, add=True)
    sx.wait()
    sz.wait()
    sy.wait()
    sy2.wait()
    return 0
  lax.fori_loop(0, NFULL, _chunk, 0)
  _drain_eps()

  e0 = e_base + NFULL * B
  pltpu.sync_copy(src_hbm.at[pl.ds(e0, TAIL)], srct_v)
  pltpu.sync_copy(dst_hbm.at[pl.ds(e0, TAIL)], dstt_v)
  pltpu.sync_copy(eps_r.at[pl.ds(e0, TAIL), pl.ds(ch0, 64)], epst_v)

  @plsc.parallel_loop(0, TAIL // 16)
  def _ot(i):
    srct_v[pl.ds(i * 16, 16)] = srct_v[pl.ds(i * 16, 16)] + offv

  pltpu.async_copy(feat2.at[srct_v], rowst_v, sem_g).wait()

  @plsc.parallel_loop(0, TAIL)
  def _compute_t(r):
    for j in range(CG):
      w = jnp.maximum(epst_v[r, pl.ds(j * 16, 16)] + 1.0, 0.0)
      epst_v[r, pl.ds(j * 16, 16)] = w
      msgt_v[r, pl.ds(j * 16, 16)] = w * rowst_v[r, pl.ds(j * 16, 16)]

  pltpu.sync_copy(epst_v, s_sh.at[dstt_v], add=True)
  pltpu.sync_copy(msgt_v, t_sh.at[dstt_v], add=True)
  pltpu.sync_copy(ones_v.at[pl.ds(0, TAIL)], deg_sh.at[dstt_v], add=True)

  plsc.subcore_barrier()

  pltpu.sync_copy(deg_sh.at[pl.ds(n0, NSLC)], deg_sm)

  def _norm(q, _):
    off = n0 + q * B
    pltpu.sync_copy(s_sh.at[pl.ds(off, B)], eps_v.at[pl.ds(0, B)])
    pltpu.sync_copy(t_sh.at[pl.ds(off, B)], rows_v)

    @plsc.parallel_loop(0, B)
    def _rows(r):
      d = jnp.full((16,), deg_sm[q * B + r], jnp.float32)
      for j in range(CG):
        s = eps_v[r, pl.ds(j * 16, 16)]
        nz = s != 0.0
        sc = jnp.where(nz, d / jnp.where(nz, s, 1.0), 0.0)
        msg_v[r, pl.ds(j * 16, 16)] = sc * rows_v[r, pl.ds(j * 16, 16)]

    pltpu.sync_copy(msg_v, out_r.at[pl.ds(off, B), pl.ds(ch0, 64)])
    return 0
  lax.fori_loop(0, NSLC // B, _norm, 0)


_sc_kernel = pl.kernel(
    _sc_body,
    out_type=jax.ShapeDtypeStruct((NPAD, 128), jnp.float32),
    mesh=plsc.VectorSubcoreMesh(core_axis_name="c", subcore_axis_name="s"),
    compiler_params=pltpu.CompilerParams(use_tc_tiling_on_sc=False),
    scratch_types=[
        pltpu.VMEM((2 * B, 64), jnp.float32),
        pltpu.VMEM((B, 64), jnp.float32),
        pltpu.VMEM((B, 64), jnp.float32),
        pltpu.VMEM((B,), jnp.int32),
        pltpu.VMEM((B,), jnp.int32),
        pltpu.VMEM((B // 2,), jnp.int32),
        pltpu.VMEM((B // 2,), jnp.int32),
        pltpu.VMEM((B,), jnp.float32),
        pltpu.VMEM((640,), jnp.float32),
        pltpu.VMEM((TAIL, 64), jnp.float32),
        pltpu.VMEM((TAIL, 64), jnp.float32),
        pltpu.VMEM((TAIL, 64), jnp.float32),
        pltpu.VMEM((TAIL,), jnp.int32),
        pltpu.VMEM((TAIL,), jnp.int32),
        pltpu.SMEM((NSLC,), jnp.float32),
        pltpu.VMEM_SHARED((NPAD, 64), jnp.float32),
        pltpu.VMEM_SHARED((NPAD, 64), jnp.float32),
        pltpu.VMEM_SHARED((NPAD,), jnp.float32),
        pltpu.SemaphoreType.DMA,
        pltpu.SemaphoreType.DMA,
        pltpu.SemaphoreType.DMA,
        pltpu.SemaphoreType.DMA,
        pltpu.SemaphoreType.DMA,
        pltpu.SemaphoreType.DMA,
        pltpu.SemaphoreType.DMA,
        pltpu.SemaphoreType.DMA,
        pltpu.SemaphoreType.DMA,
    ],
)


def _mm_body(a_ref, w_ref, b_ref, o_ref):
  o_ref[...] = (
      jnp.dot(a_ref[...], w_ref[...], preferred_element_type=jnp.float32)
      + b_ref[0:1, :]
  )


def _matmul(agg_pad, W, b2):
  return pl.pallas_call(
      _mm_body,
      grid=(10,),
      in_specs=[
          pl.BlockSpec((1000, C), lambda i: (i, 0)),
          pl.BlockSpec((C, C), lambda i: (0, 0)),
          pl.BlockSpec((8, C), lambda i: (0, 0)),
      ],
      out_specs=pl.BlockSpec((1000, C), lambda i: (i, 0)),
      out_shape=jax.ShapeDtypeStruct((N, C), jnp.float32),
  )(agg_pad, W, b2)


def kernel(feat, edge_index, eps, W, b):
  feat_pad = jnp.concatenate(
      [feat, jnp.zeros((NPAD - N, C), feat.dtype)], axis=0)
  feat2 = jnp.concatenate(
      [feat_pad[:, :64], feat_pad[:, 64:]], axis=0)
  eps_r = eps
  agg = _sc_kernel(
      feat2, edge_index[0], edge_index[1], eps_r).reshape(NPAD, C)
  b2 = jnp.broadcast_to(b.reshape(1, C), (8, C))
  return _matmul(agg, W, b2)

# --- scband reference (transcript-rebuilt; emitter-appended) ---
"""Pipeline reference for scband-stag-layer-20761871909156 (READ-ONLY COPY).

The authoritative reference and input builder live on the scoring server;
editing this copy changes nothing except your own understanding.
"""

import jax, jax.numpy as jnp
import numpy as np

N_NODES = 10000
N_EDGES = 320000
D_FEAT = 128
D_OUT = 128

def setup_inputs(seed: int = 0) -> dict:
    key = jax.random.key(seed)
    k1, k2, k3, k4 = jax.random.split(key, 4)
    feat = jax.random.normal(k1, (N_NODES, D_FEAT), dtype=jnp.float32)
    edge_index = jax.random.randint(k2, (2, N_EDGES), 0, N_NODES, dtype=jnp.int32)
    # eps is the standard-normal base noise for the reparameterized rsample of
    # q_a = Normal(loc=1.0, scale=1.0) over shape [E, C] (the _rsample_noise_r1 branch).
    eps = jax.random.normal(k3, (N_EDGES, D_FEAT), dtype=jnp.float32)
    # Learned params of base GraphConv(in=128, out=128, norm='none', bias=True)
    W = jax.random.normal(k4, (D_FEAT, D_OUT), dtype=jnp.float32) * (1.0 / np.sqrt(D_FEAT))
    b = jnp.zeros((D_OUT,), dtype=jnp.float32)
    return {"feat": feat, "edge_index": edge_index, "eps": eps, "W": W, "b": b}

def reference(feat, edge_index, eps, W, b):
    src = edge_index[0]
    dst = edge_index[1]
    n = feat.shape[0]
    # rsample from Normal(1.0, 1.0): loc + scale * eps, shape [E, C]
    ew = 1.0 + 1.0 * eps
    # relu=True branch
    ew = jax.nn.relu(ew)
    # norm=True branch: _in_norm
    # current_sum[v] = sum of incoming edge weights; desired_sum = in_degree
    in_deg = jax.ops.segment_sum(jnp.ones((ew.shape[0],), dtype=jnp.float32), dst, num_segments=n)
    current_sum = jax.ops.segment_sum(ew, dst, num_segments=n)  # [N, C]
    nonzero = jnp.not_equal(current_sum, 0.0)
    safe_cur = jnp.where(nonzero, current_sum, 1.0)
    node_scaling = jnp.where(nonzero, in_deg[:, None] / safe_cur, 0.0)  # [N, C]
    edge_scaling = node_scaling[dst]  # gather dst scaling onto edges
    ew = ew * edge_scaling
    # base GraphConv (norm='none') with edge_weight: message = feat[src] * ew, sum to dst, then project
    msg = feat[src] * ew  # [E, C]
    agg = jax.ops.segment_sum(msg, dst, num_segments=n)  # [N, C]
    out = agg @ W + b
    return out

if __name__ == "__main__":
    import jax
    _d = setup_inputs()
    print(jax.jit(kernel)(*tuple(_d.values())))

</pallas_src>

<mosaic_0001>
#map = affine_map<(d0, d1) -> (0, 0)>
#map1 = affine_map<(d0, d1) -> (0)>
module attributes {stable_mosaic.version = 14 : i64} {
  func.func @_sc_body(%arg0: i32, %arg1: i32, %arg2: memref<20480x64xf32, #tpu.memory_space<hbm>>, %arg3: memref<320000xi32, #tpu.memory_space<hbm>>, %arg4: memref<320000xi32, #tpu.memory_space<hbm>>, %arg5: memref<320000x128xf32, #tpu.memory_space<hbm>>, %arg6: memref<10240x128xf32, #tpu.memory_space<hbm>>, %arg7: memref<256x64xf32, #tpu.memory_space<vmem>>, %arg8: memref<128x64xf32, #tpu.memory_space<vmem>>, %arg9: memref<128x64xf32, #tpu.memory_space<vmem>>, %arg10: memref<128xi32, #tpu.memory_space<vmem>>, %arg11: memref<128xi32, #tpu.memory_space<vmem>>, %arg12: memref<64xi32, #tpu.memory_space<vmem>>, %arg13: memref<64xi32, #tpu.memory_space<vmem>>, %arg14: memref<128xf32, #tpu.memory_space<vmem>>, %arg15: memref<640xf32, #tpu.memory_space<vmem>>, %arg16: memref<32x64xf32, #tpu.memory_space<vmem>>, %arg17: memref<32x64xf32, #tpu.memory_space<vmem>>, %arg18: memref<32x64xf32, #tpu.memory_space<vmem>>, %arg19: memref<32xi32, #tpu.memory_space<vmem>>, %arg20: memref<32xi32, #tpu.memory_space<vmem>>, %arg21: memref<640xf32, #tpu.memory_space<smem>>, %arg22: memref<10240x64xf32, #tpu.memory_space<vmem_shared>>, %arg23: memref<10240x64xf32, #tpu.memory_space<vmem_shared>>, %arg24: memref<10240xf32, #tpu.memory_space<vmem_shared>>, %arg25: memref<!tpu.dma_semaphore, #tpu.memory_space<semaphore_mem>>, %arg26: memref<!tpu.dma_semaphore, #tpu.memory_space<semaphore_mem>>, %arg27: memref<!tpu.dma_semaphore, #tpu.memory_space<semaphore_mem>>, %arg28: memref<!tpu.dma_semaphore, #tpu.memory_space<semaphore_mem>>, %arg29: memref<!tpu.dma_semaphore, #tpu.memory_space<semaphore_mem>>, %arg30: memref<!tpu.dma_semaphore, #tpu.memory_space<semaphore_mem>>, %arg31: memref<!tpu.dma_semaphore, #tpu.memory_space<semaphore_mem>>, %arg32: memref<!tpu.dma_semaphore, #tpu.memory_space<semaphore_mem>>, %arg33: memref<!tpu.dma_semaphore, #tpu.memory_space<semaphore_mem>>) attributes {dimension_semantics = [#tpu.dimension_semantics<core_parallel>, #tpu.dimension_semantics<subcore_parallel>], iteration_bounds = array<i64: 2, 16>, scalar_prefetch = 0 : i64, scratch_operands = 27 : i64, tpu.core_type = #tpu.core_type<sc_vector_subcore>, window_params = [{transform_indices = #map}, {transform_indices = #map1}, {transform_indices = #map1}, {transform_indices = #map}, {transform_indices = #map}]} {
    %mul3A = arith.constant 64 : i32
    %mul3A_0 = arith.muli %arg0, %mul3A : i32
    %mul3A_1 = arith.constant 640 : i32
    %mul3A_2 = arith.muli %arg1, %mul3A_1 : i32
    %mul3A_3 = arith.constant 20000 : i32
    %mul3A_4 = arith.muli %arg1, %mul3A_3 : i32
    %mul3A_5 = arith.constant 10240 : i32
    %mul3A_6 = arith.muli %arg0, %mul3A_5 : i32
    %broadcast_in_dim3A = vector.broadcast %mul3A_6 : i32 to vector<16xi32>
    %parallel_loop3A = arith.constant 0 : i32
    %parallel_loop3A_7 = arith.constant 128 : i32
    %parallel_loop3A_8 = arith.constant 1 : i32
    scf.for %parallel_loop3A_65 = %parallel_loop3A to %parallel_loop3A_7 step %parallel_loop3A_8  : i32 {
      %parallel_loop3A_66 = arith.constant 0.000000e+00 : f32
      %parallel_loop3A_67 = vector.broadcast %parallel_loop3A_66 : f32 to vector<16xf32>
      %parallel_loop3A_68 = arith.index_cast %parallel_loop3A_65 : i32 to index
      %parallel_loop3A_69 = arith.constant 0 : index
      %parallel_loop3A_70 = tpu.vector_load %arg9[%parallel_loop3A_68, %parallel_loop3A_69] {strides = array<i32>} : memref<128x64xf32, #tpu.memory_space<vmem>>, vector<1x16xf32>,
      %parallel_loop3A_71 = vector.shape_cast %parallel_loop3A_70 : vector<1x16xf32> to vector<16xf32>
      %parallel_loop3A_72 = vector.shape_cast %parallel_loop3A_67 : vector<16xf32> to vector<1x16xf32>
      tpu.vector_store %arg9[%parallel_loop3A_68, %parallel_loop3A_69], %parallel_loop3A_72 {strides = array<i32>} : memref<128x64xf32, #tpu.memory_space<vmem>>, vector<1x16xf32>,
      %parallel_loop3A_73 = arith.constant 0.000000e+00 : f32
      %parallel_loop3A_74 = vector.broadcast %parallel_loop3A_73 : f32 to vector<16xf32>
      %parallel_loop3A_75 = arith.index_cast %parallel_loop3A_65 : i32 to index
      %parallel_loop3A_76 = arith.constant 16 : index
      %parallel_loop3A_77 = tpu.vector_load %arg9[%parallel_loop3A_75, %parallel_loop3A_76] {strides = array<i32>} : memref<128x64xf32, #tpu.memory_space<vmem>>, vector<1x16xf32>,
      %parallel_loop3A_78 = vector.shape_cast %parallel_loop3A_77 : vector<1x16xf32> to vector<16xf32>
      %parallel_loop3A_79 = vector.shape_cast %parallel_loop3A_74 : vector<16xf32> to vector<1x16xf32>
      tpu.vector_store %arg9[%parallel_loop3A_75, %parallel_loop3A_76], %parallel_loop3A_79 {strides = array<i32>} : memref<128x64xf32, #tpu.memory_space<vmem>>, vector<1x16xf32>,
      %parallel_loop3A_80 = arith.constant 0.000000e+00 : f32
      %parallel_loop3A_81 = vector.broadcast %parallel_loop3A_80 : f32 to vector<16xf32>
      %parallel_loop3A_82 = arith.index_cast %parallel_loop3A_65 : i32 to index
      %parallel_loop3A_83 = arith.constant 32 : index
      %parallel_loop3A_84 = tpu.vector_load %arg9[%parallel_loop3A_82, %parallel_loop3A_83] {strides = array<i32>} : memref<128x64xf32, #tpu.memory_space<vmem>>, vector<1x16xf32>,
      %parallel_loop3A_85 = vector.shape_cast %parallel_loop3A_84 : vector<1x16xf32> to vector<16xf32>
      %parallel_loop3A_86 = vector.shape_cast %parallel_loop3A_81 : vector<16xf32> to vector<1x16xf32>
      tpu.vector_store %arg9[%parallel_loop3A_82, %parallel_loop3A_83], %parallel_loop3A_86 {strides = array<i32>} : memref<128x64xf32, #tpu.memory_space<vmem>>, vector<1x16xf32>,
      %parallel_loop3A_87 = arith.constant 0.000000e+00 : f32
      %parallel_loop3A_88 = vector.broadcast %parallel_loop3A_87 : f32 to vector<16xf32>
      %parallel_loop3A_89 = arith.index_cast %parallel_loop3A_65 : i32 to index
      %parallel_loop3A_90 = arith.constant 48 : index
      %parallel_loop3A_91 = tpu.vector_load %arg9[%parallel_loop3A_89, %parallel_loop3A_90] {strides = array<i32>} : memref<128x64xf32, #tpu.memory_space<vmem>>, vector<1x16xf32>,
      %parallel_loop3A_92 = vector.shape_cast %parallel_loop3A_91 : vector<1x16xf32> to vector<16xf32>
      %parallel_loop3A_93 = vector.shape_cast %parallel_loop3A_88 : vector<16xf32> to vector<1x16xf32>
      tpu.vector_store %arg9[%parallel_loop3A_89, %parallel_loop3A_90], %parallel_loop3A_93 {strides = array<i32>} : memref<128x64xf32, #tpu.memory_space<vmem>>, vector<1x16xf32>,
    } {sc.loop_unroll_factor = 1 : i64, sc.parallel_access}
    %parallel_loop3A_9 = arith.constant 0 : i32
    %parallel_loop3A_10 = arith.constant 40 : i32
    %parallel_loop3A_11 = arith.constant 1 : i32
    scf.for %parallel_loop3A_65 = %parallel_loop3A_9 to %parallel_loop3A_10 step %parallel_loop3A_11  : i32 {
      %parallel_loop3A_66 = arith.constant 0.000000e+00 : f32
      %parallel_loop3A_67 = vector.broadcast %parallel_loop3A_66 : f32 to vector<16xf32>
      %parallel_loop3A_68 = arith.constant 16 : i32
      %parallel_loop3A_69 = arith.muli %parallel_loop3A_65, %parallel_loop3A_68 : i32
      %parallel_loop3A_70 = arith.index_cast %parallel_loop3A_69 : i32 to index
      %parallel_loop3A_71 = tpu.vector_load %arg15[%parallel_loop3A_70] {strides = array<i32>} : memref<640xf32, #tpu.memory_space<vmem>>, vector<16xf32>,
      %parallel_loop3A_72 = vector.shape_cast %parallel_loop3A_71 : vector<16xf32> to vector<16xf32>
      %parallel_loop3A_73 = vector.shape_cast %parallel_loop3A_67 : vector<16xf32> to vector<16xf32>
      tpu.vector_store %arg15[%parallel_loop3A_70], %parallel_loop3A_73 {strides = array<i32>} : memref<640xf32, #tpu.memory_space<vmem>>, vector<16xf32>,
    } {sc.loop_unroll_factor = 1 : i64, sc.parallel_access}
    %parallel_loop3A_12 = arith.constant 0 : i32
    %parallel_loop3A_13 = arith.constant 8 : i32
    %parallel_loop3A_14 = arith.constant 1 : i32
    scf.for %parallel_loop3A_65 = %parallel_loop3A_12 to %parallel_loop3A_13 step %parallel_loop3A_14  : i32 {
      %parallel_loop3A_66 = arith.constant 1.000000e+00 : f32
      %parallel_loop3A_67 = vector.broadcast %parallel_loop3A_66 : f32 to vector<16xf32>
      %parallel_loop3A_68 = arith.constant 16 : i32
      %parallel_loop3A_69 = arith.muli %parallel_loop3A_65, %parallel_loop3A_68 : i32
      %parallel_loop3A_70 = arith.index_cast %parallel_loop3A_69 : i32 to index
      %parallel_loop3A_71 = tpu.vector_load %arg14[%parallel_loop3A_70] {strides = array<i32>} : memref<128xf32, #tpu.memory_space<vmem>>, vector<16xf32>,
      %parallel_loop3A_72 = vector.shape_cast %parallel_loop3A_71 : vector<16xf32> to vector<16xf32>
      %parallel_loop3A_73 = vector.shape_cast %parallel_loop3A_67 : vector<16xf32> to vector<16xf32>
      tpu.vector_store %arg14[%parallel_loop3A_70], %parallel_loop3A_73 {strides = array<i32>} : memref<128xf32, #tpu.memory_space<vmem>>, vector<16xf32>,
    } {sc.loop_unroll_factor = 1 : i64, sc.parallel_access}
    %scan3A = arith.constant 0 : i32
    %scan3A_15 = arith.constant 0 : i32
    %scan3A_16 = arith.constant 5 : i32
    %scan3A_17 = arith.addi %scan3A_15, %scan3A_16 : i32
    %scan3A_18 = arith.constant 1 : i32
    %scan3A_19 = scf.for %scan3A_65 = %scan3A_15 to %scan3A_17 step %scan3A_18 iter_args(%scan3A_66 = %scan3A) -> (i32)  : i32 {
      %mul3A_67 = arith.constant 128 : i32
      %mul3A_68 = arith.muli %scan3A_65, %mul3A_67 : i32
      %add3A_69 = arith.addi %mul3A_2, %mul3A_68 : i32
      "tpu.region"() ({
        %run_scoped3A = tpu.sem_alloc : memref<!tpu.dma_semaphore, #tpu.memory_space<semaphore_mem>>
        %dma_start3A_71 = arith.constant 0 : i32
        %dma_start3A_72 = tpu.memref_slice %arg22[%add3A_69, %dma_start3A_71] : memref<10240x64xf32, #tpu.memory_space<vmem_shared>> -> memref<128x64xf32, #tpu.memory_space<vmem_shared>>
        %dma_start3A_73 = arith.constant 0 : i32
        %dma_start3A_74 = tpu.memref_slice %arg22[%add3A_69, %dma_start3A_73] : memref<10240x64xf32, #tpu.memory_space<vmem_shared>> -> memref<128x64xf32, #tpu.memory_space<vmem_shared>>
        tpu.enqueue_dma source(%arg9 : memref<128x64xf32, #tpu.memory_space<vmem>>) target(%dma_start3A_74 : memref<128x64xf32, #tpu.memory_space<vmem_shared>>) target_semaphore(%run_scoped3A : memref<!tpu.dma_semaphore, #tpu.memory_space<semaphore_mem>>)
        %dma_wait3A_75 = arith.constant 0 : i32
        %dma_wait3A_76 = tpu.memref_slice %arg22[%add3A_69, %dma_wait3A_75] : memref<10240x64xf32, #tpu.memory_space<vmem_shared>> -> memref<128x64xf32, #tpu.memory_space<vmem_shared>>
        %dma_wait3A_77 = arith.constant 0 : i32
        %dma_wait3A_78 = tpu.memref_slice %arg22[%add3A_69, %dma_wait3A_77] : memref<10240x64xf32, #tpu.memory_space<vmem_shared>> -> memref<128x64xf32, #tpu.memory_space<vmem_shared>>
        tpu.wait_dma2 semaphore(%run_scoped3A : memref<!tpu.dma_semaphore, #tpu.memory_space<semaphore_mem>>) src(%arg9 : memref<128x64xf32, #tpu.memory_space<vmem>>) dst(%dma_wait3A_78 : memref<128x64xf32, #tpu.memory_space<vmem_shared>>)
        tpu.yield
      }) : () -> ()
      "tpu.region"() ({
        %run_scoped3A = tpu.sem_alloc : memref<!tpu.dma_semaphore, #tpu.memory_space<semaphore_mem>>
        %dma_start3A_71 = arith.constant 0 : i32
        %dma_start3A_72 = tpu.memref_slice %arg23[%add3A_69, %dma_start3A_71] : memref<10240x64xf32, #tpu.memory_space<vmem_shared>> -> memref<128x64xf32, #tpu.memory_space<vmem_shared>>
        %dma_start3A_73 = arith.constant 0 : i32
        %dma_start3A_74 = tpu.memref_slice %arg23[%add3A_69, %dma_start3A_73] : memref<10240x64xf32, #tpu.memory_space<vmem_shared>> -> memref<128x64xf32, #tpu.memory_space<vmem_shared>>
        tpu.enqueue_dma source(%arg9 : memref<128x64xf32, #tpu.memory_space<vmem>>) target(%dma_start3A_74 : memref<128x64xf32, #tpu.memory_space<vmem_shared>>) target_semaphore(%run_scoped3A : memref<!tpu.dma_semaphore, #tpu.memory_space<semaphore_mem>>)
        %dma_wait3A_75 = arith.constant 0 : i32
        %dma_wait3A_76 = tpu.memref_slice %arg23[%add3A_69, %dma_wait3A_75] : memref<10240x64xf32, #tpu.memory_space<vmem_shared>> -> memref<128x64xf32, #tpu.memory_space<vmem_shared>>
        %dma_wait3A_77 = arith.constant 0 : i32
        %dma_wait3A_78 = tpu.memref_slice %arg23[%add3A_69, %dma_wait3A_77] : memref<10240x64xf32, #tpu.memory_space<vmem_shared>> -> memref<128x64xf32, #tpu.memory_space<vmem_shared>>
        tpu.wait_dma2 semaphore(%run_scoped3A : memref<!tpu.dma_semaphore, #tpu.memory_space<semaphore_mem>>) src(%arg9 : memref<128x64xf32, #tpu.memory_space<vmem>>) dst(%dma_wait3A_78 : memref<128x64xf32, #tpu.memory_space<vmem_shared>>)
        tpu.yield
      }) : () -> ()
      %scan3A_70 = arith.constant 0 : i32
      scf.yield %scan3A_70 : i32
    }
    %scan3A_20 = arith.constant 5 : i32
    "tpu.region"() ({
      %run_scoped3A = tpu.sem_alloc : memref<!tpu.dma_semaphore, #tpu.memory_space<semaphore_mem>>
      %dma_start3A_65 = arith.constant 0 : i32
      %dma_start3A_66 = tpu.memref_slice %arg15[%dma_start3A_65] : memref<640xf32, #tpu.memory_space<vmem>> -> memref<640xf32, #tpu.memory_space<vmem>>
      %dma_start3A_67 = tpu.memref_slice %arg24[%mul3A_2] : memref<10240xf32, #tpu.memory_space<vmem_shared>> -> memref<640xf32, #tpu.memory_space<vmem_shared>>
      %dma_start3A_68 = tpu.memref_slice %arg24[%mul3A_2] : memref<10240xf32, #tpu.memory_space<vmem_shared>> -> memref<640xf32, #tpu.memory_space<vmem_shared>>
      %dma_start3A_69 = arith.constant 0 : i32
      %dma_start3A_70 = tpu.memref_slice %arg15[%dma_start3A_69] : memref<640xf32, #tpu.memory_space<vmem>> -> memref<640xf32, #tpu.memory_space<vmem>>
      tpu.enqueue_dma source(%dma_start3A_70 : memref<640xf32, #tpu.memory_space<vmem>>) target(%dma_start3A_68 : memref<640xf32, #tpu.memory_space<vmem_shared>>) target_semaphore(%run_scoped3A : memref<!tpu.dma_semaphore, #tpu.memory_space<semaphore_mem>>)
      %dma_wait3A_71 = arith.constant 0 : i32
      %dma_wait3A_72 = tpu.memref_slice %arg15[%dma_wait3A_71] : memref<640xf32, #tpu.memory_space<vmem>> -> memref<640xf32, #tpu.memory_space<vmem>>
      %dma_wait3A_73 = tpu.memref_slice %arg24[%mul3A_2] : memref<10240xf32, #tpu.memory_space<vmem_shared>> -> memref<640xf32, #tpu.memory_space<vmem_shared>>
      %dma_wait3A_74 = tpu.memref_slice %arg24[%mul3A_2] : memref<10240xf32, #tpu.memory_space<vmem_shared>> -> memref<640xf32, #tpu.memory_space<vmem_shared>>
      %dma_wait3A_75 = arith.constant 0 : i32
      %dma_wait3A_76 = tpu.memref_slice %arg15[%dma_wait3A_75] : memref<640xf32, #tpu.memory_space<vmem>> -> memref<640xf32, #tpu.memory_space<vmem>>
      tpu.wait_dma2 semaphore(%run_scoped3A : memref<!tpu.dma_semaphore, #tpu.memory_space<semaphore_mem>>) src(%dma_wait3A_76 : memref<640xf32, #tpu.memory_space<vmem>>) dst(%dma_wait3A_74 : memref<640xf32, #tpu.memory_space<vmem_shared>>)
      tpu.yield
    }) : () -> ()
    %barrier3A = arith.constant 0 : index
    tpu.barrier barrier_id(%barrier3A)
    %add3A = arith.constant 0 : i32
    %add3A_21 = arith.addi %mul3A_4, %add3A : i32
    %jit3A = arith.constant true
    %select_n3A = arith.select %jit3A, %add3A_21, %mul3A_4 : i32
    %dma_start3A = arith.constant 0 : i32
    %dma_start3A_22 = arith.constant 0 : i32
    %dma_start3A_23 = tpu.memref_slice %arg7[%dma_start3A, %dma_start3A_22] : memref<256x64xf32, #tpu.memory_space<vmem>> -> memref<128x64xf32, #tpu.memory_space<vmem>>
    %dma_start3A_24 = tpu.memref_slice %arg5[%select_n3A, %mul3A_0] : memref<320000x128xf32, #tpu.memory_space<hbm>> -> memref<128x64xf32, #tpu.memory_space<hbm>>
    %dma_start3A_25 = arith.constant 0 : i32
    %dma_start3A_26 = arith.constant 0 : i32
    %dma_start3A_27 = tpu.memref_slice %arg7[%dma_start3A_25, %dma_start3A_26] : memref<256x64xf32, #tpu.memory_space<vmem>> -> memref<128x64xf32, #tpu.memory_space<vmem>>
    %dma_start3A_28 = tpu.memref_slice %arg5[%select_n3A, %mul3A_0] : memref<320000x128xf32, #tpu.memory_space<hbm>> -> memref<128x64xf32, #tpu.memory_space<hbm>>
    tpu.enqueue_dma source(%dma_start3A_28 : memref<128x64xf32, #tpu.memory_space<hbm>>) target(%dma_start3A_27 : memref<128x64xf32, #tpu.memory_space<vmem>>) target_semaphore(%arg27 : memref<!tpu.dma_semaphore, #tpu.memory_space<semaphore_mem>>)
    %scan3A_29 = arith.constant 0 : i32
    %scan3A_30 = arith.constant 0 : i32
    %scan3A_31 = arith.constant 156 : i32
    %scan3A_32 = arith.addi %scan3A_30, %scan3A_31 : i32
    %scan3A_33 = arith.constant 1 : i32
    %scan3A_34 = scf.for %scan3A_65 = %scan3A_30 to %scan3A_32 step %scan3A_33 iter_args(%scan3A_66 = %scan3A_29) -> (i32)  : i32 {
      %mul3A_67 = arith.constant 128 : i32
      %mul3A_68 = arith.muli %scan3A_65, %mul3A_67 : i32
      %add3A_69 = arith.addi %mul3A_4, %mul3A_68 : i32
      %jit3A_70 = arith.constant 2 : i32
      %eq3A = arith.constant 0 : i32
      %eq3A_71 = arith.cmpi eq, %jit3A_70, %eq3A : i32
      %jit3A_72 = arith.constant 1 : i32
      %select_n3A_73 = arith.select %eq3A_71, %jit3A_72, %jit3A_70 : i32
      %rem3A = arith.remsi %scan3A_65, %select_n3A_73 : i32
      %ne3A = arith.constant 0 : i32
      %ne3A_74 = arith.cmpi ne, %rem3A, %ne3A : i32
      %lt3A = arith.constant 0 : i32
      %lt3A_75 = arith.cmpi slt, %rem3A, %lt3A : i32
      %lt3A_76 = arith.constant 0 : i32
      %lt3A_77 = arith.cmpi slt, %select_n3A_73, %lt3A_76 : i32
      %ne3A_78 = arith.xori %lt3A_75, %lt3A_77 : i1
      %and3A = arith.andi %ne3A_78, %ne3A_74 : i1
      %add3A_79 = arith.addi %rem3A, %select_n3A_73 : i32
      %select_n3A_80 = arith.select %and3A, %add3A_79, %rem3A : i32
      %mul3A_81 = arith.constant 128 : i32
      %mul3A_82 = arith.muli %select_n3A_80, %mul3A_81 : i32
      %dma_start3A_83 = tpu.memref_slice %arg3[%add3A_69] : memref<320000xi32, #tpu.memory_space<hbm>> -> memref<128xi32, #tpu.memory_space<hbm>>
      %dma_start3A_84 = tpu.memref_slice %arg3[%add3A_69] : memref<320000xi32, #tpu.memory_space<hbm>> -> memref<128xi32, #tpu.memory_space<hbm>>
      tpu.enqueue_dma source(%dma_start3A_84 : memref<128xi32, #tpu.memory_space<hbm>>) target(%arg10 : memref<128xi32, #tpu.memory_space<vmem>>) target_semaphore(%arg25 : memref<!tpu.dma_semaphore, #tpu.memory_space<semaphore_mem>>)
      %dma_start3A_85 = tpu.memref_slice %arg4[%add3A_69] : memref<320000xi32, #tpu.memory_space<hbm>> -> memref<128xi32, #tpu.memory_space<hbm>>
      %dma_start3A_86 = tpu.memref_slice %arg4[%add3A_69] : memref<320000xi32, #tpu.memory_space<hbm>> -> memref<128xi32, #tpu.memory_space<hbm>>
      tpu.enqueue_dma source(%dma_start3A_86 : memref<128xi32, #tpu.memory_space<hbm>>) target(%arg11 : memref<128xi32, #tpu.memory_space<vmem>>) target_semaphore(%arg26 : memref<!tpu.dma_semaphore, #tpu.memory_space<semaphore_mem>>)
      %dma_wait3A_87 = tpu.memref_slice %arg3[%add3A_69] : memref<320000xi32, #tpu.memory_space<hbm>> -> memref<128xi32, #tpu.memory_space<hbm>>
      %dma_wait3A_88 = tpu.memref_slice %arg3[%add3A_69] : memref<320000xi32, #tpu.memory_space<hbm>> -> memref<128xi32, #tpu.memory_space<hbm>>
      tpu.wait_dma2 semaphore(%arg25 : memref<!tpu.dma_semaphore, #tpu.memory_space<semaphore_mem>>) src(%dma_wait3A_88 : memref<128xi32, #tpu.memory_space<hbm>>) dst(%arg10 : memref<128xi32, #tpu.memory_space<vmem>>)
      %parallel_loop3A_89 = arith.constant 0 : i32
      %parallel_loop3A_90 = arith.constant 8 : i32
      %parallel_loop3A_91 = arith.constant 1 : i32
      scf.for %parallel_loop3A_217 = %parallel_loop3A_89 to %parallel_loop3A_90 step %parallel_loop3A_91  : i32 {
        %parallel_loop3A_218 = arith.constant 16 : i32
        %parallel_loop3A_219 = arith.muli %parallel_loop3A_217, %parallel_loop3A_218 : i32
        %parallel_loop3A_220 = arith.index_cast %parallel_loop3A_219 : i32 to index
        %parallel_loop3A_221 = tpu.vector_load %arg10[%parallel_loop3A_220] {strides = array<i32>} : memref<128xi32, #tpu.memory_space<vmem>>, vector<16xi32>,
        %parallel_loop3A_222 = vector.shape_cast %parallel_loop3A_221 : vector<16xi32> to vector<16xi32>
        %parallel_loop3A_223 = arith.addi %parallel_loop3A_222, %broadcast_in_dim3A : vector<16xi32>
        %parallel_loop3A_224 = arith.constant 16 : i32
        %parallel_loop3A_225 = arith.muli %parallel_loop3A_217, %parallel_loop3A_224 : i32
        %parallel_loop3A_226 = arith.index_cast %parallel_loop3A_225 : i32 to index
        %parallel_loop3A_227 = tpu.vector_load %arg10[%parallel_loop3A_226] {strides = array<i32>} : memref<128xi32, #tpu.memory_space<vmem>>, vector<16xi32>,
        %parallel_loop3A_228 = vector.shape_cast %parallel_loop3A_227 : vector<16xi32> to vector<16xi32>
        %parallel_loop3A_229 = vector.shape_cast %parallel_loop3A_223 : vector<16xi32> to vector<16xi32>
        tpu.vector_store %arg10[%parallel_loop3A_226], %parallel_loop3A_229 {strides = array<i32>} : memref<128xi32, #tpu.memory_space<vmem>>, vector<16xi32>,
      } {sc.loop_unroll_factor = 1 : i64, sc.parallel_access}
      %dma_start3A_92 = arith.constant 0 : i32
      %dma_start3A_93 = arith.constant 0 : i32
      %dma_start3A_94 = tpu.memref_slice %arg8[%dma_start3A_92, %dma_start3A_93] : memref<128x64xf32, #tpu.memory_space<vmem>> -> memref<64x64xf32, #tpu.memory_space<vmem>>
      %dma_start3A_95 = arith.constant 0 : i32
      %dma_start3A_96 = tpu.memref_slice %arg10[%dma_start3A_95] : memref<128xi32, #tpu.memory_space<vmem>> -> memref<64xi32, #tpu.memory_space<vmem>>
      %dma_start3A_97 = arith.constant 0 : i32
      %dma_start3A_98 = arith.constant 0 : i32
      %dma_start3A_99 = tpu.memref_slice %arg2[%dma_start3A_97, %dma_start3A_98] : memref<20480x64xf32, #tpu.memory_space<hbm>> -> memref<20480x64xf32, #tpu.memory_space<hbm>>
      tpu.enqueue_indirect_dma source(%dma_start3A_99 : memref<20480x64xf32, #tpu.memory_space<hbm>>) target(%dma_start3A_94 : memref<64x64xf32, #tpu.memory_space<vmem>>) offsets(%dma_start3A_96 : memref<64xi32, #tpu.memory_space<vmem>>) semaphore(%arg28 : memref<!tpu.dma_semaphore, #tpu.memory_space<semaphore_mem>>)
      %dma_start3A_100 = arith.constant 64 : i32
      %dma_start3A_101 = arith.constant 0 : i32
      %dma_start3A_102 = tpu.memref_slice %arg8[%dma_start3A_100, %dma_start3A_101] : memref<128x64xf32, #tpu.memory_space<vmem>> -> memref<64x64xf32, #tpu.memory_space<vmem>>
      %dma_start3A_103 = arith.constant 64 : i32
      %dma_start3A_104 = tpu.memref_slice %arg10[%dma_start3A_103] : memref<128xi32, #tpu.memory_space<vmem>> -> memref<64xi32, #tpu.memory_space<vmem>>
      %dma_start3A_105 = arith.constant 0 : i32
      %dma_start3A_106 = arith.constant 0 : i32
      %dma_start3A_107 = tpu.memref_slice %arg2[%dma_start3A_105, %dma_start3A_106] : memref<20480x64xf32, #tpu.memory_space<hbm>> -> memref<20480x64xf32, #tpu.memory_space<hbm>>
      tpu.enqueue_indirect_dma source(%dma_start3A_107 : memref<20480x64xf32, #tpu.memory_space<hbm>>) target(%dma_start3A_102 : memref<64x64xf32, #tpu.memory_space<vmem>>) offsets(%dma_start3A_104 : memref<64xi32, #tpu.memory_space<vmem>>) semaphore(%arg29 : memref<!tpu.dma_semaphore, #tpu.memory_space<semaphore_mem>>)
      %dma_wait3A_108 = arith.constant 0 : i32
      %dma_wait3A_109 = arith.constant 0 : i32
      %dma_wait3A_110 = tpu.memref_slice %arg7[%dma_wait3A_108, %dma_wait3A_109] : memref<256x64xf32, #tpu.memory_space<vmem>> -> memref<128x64xf32, #tpu.memory_space<vmem>>
      %dma_wait3A_111 = tpu.memref_slice %arg5[%mul3A_4, %mul3A_0] : memref<320000x128xf32, #tpu.memory_space<hbm>> -> memref<128x64xf32, #tpu.memory_space<hbm>>
      %dma_wait3A_112 = arith.constant 0 : i32
      %dma_wait3A_113 = arith.constant 0 : i32
      %dma_wait3A_114 = tpu.memref_slice %arg7[%dma_wait3A_112, %dma_wait3A_113] : memref<256x64xf32, #tpu.memory_space<vmem>> -> memref<128x64xf32, #tpu.memory_space<vmem>>
      %dma_wait3A_115 = tpu.memref_slice %arg5[%mul3A_4, %mul3A_0] : memref<320000x128xf32, #tpu.memory_space<hbm>> -> memref<128x64xf32, #tpu.memory_space<hbm>>
      tpu.wait_dma2 semaphore(%arg27 : memref<!tpu.dma_semaphore, #tpu.memory_space<semaphore_mem>>) src(%dma_wait3A_115 : memref<128x64xf32, #tpu.memory_space<hbm>>) dst(%dma_wait3A_114 : memref<128x64xf32, #tpu.memory_space<vmem>>)
      %parallel_loop3A_116 = arith.constant 0 : i32
      %parallel_loop3A_117 = arith.constant 128 : i32
      %parallel_loop3A_118 = arith.constant 1 : i32
      scf.for %parallel_loop3A_217 = %parallel_loop3A_116 to %parallel_loop3A_117 step %parallel_loop3A_118  : i32 {
        %parallel_loop3A_218 = arith.addi %mul3A_82, %parallel_loop3A_217 : i32
        %parallel_loop3A_219 = arith.index_cast %parallel_loop3A_218 : i32 to index
        %parallel_loop3A_220 = arith.constant 0 : index
        %parallel_loop3A_221 = tpu.vector_load %arg7[%parallel_loop3A_219, %parallel_loop3A_220] {strides = array<i32>} : memref<256x64xf32, #tpu.memory_space<vmem>>, vector<1x16xf32>,
        %parallel_loop3A_222 = vector.shape_cast %parallel_loop3A_221 : vector<1x16xf32> to vector<16xf32>
        %parallel_loop3A_223 = arith.constant 1.000000e+00 : f32
        %parallel_loop3A_224 = vector.broadcast %parallel_loop3A_223 : f32 to vector<16xf32>
        %parallel_loop3A_225 = arith.addf %parallel_loop3A_222, %parallel_loop3A_224 : vector<16xf32>
        %parallel_loop3A_226 = arith.constant 0.000000e+00 : f32
        %parallel_loop3A_227 = vector.broadcast %parallel_loop3A_226 : f32 to vector<16xf32>
        %parallel_loop3A_228 = arith.maximumf %parallel_loop3A_225, %parallel_loop3A_227 : vector<16xf32>
        %parallel_loop3A_229 = arith.addi %mul3A_82, %parallel_loop3A_217 : i32
        %parallel_loop3A_230 = arith.index_cast %parallel_loop3A_229 : i32 to index
        %parallel_loop3A_231 = arith.constant 0 : index
        %parallel_loop3A_232 = tpu.vector_load %arg7[%parallel_loop3A_230, %parallel_loop3A_231] {strides = array<i32>} : memref<256x64xf32, #tpu.memory_space<vmem>>, vector<1x16xf32>,
        %parallel_loop3A_233 = vector.shape_cast %parallel_loop3A_232 : vector<1x16xf32> to vector<16xf32>
        %parallel_loop3A_234 = vector.shape_cast %parallel_loop3A_228 : vector<16xf32> to vector<1x16xf32>
        tpu.vector_store %arg7[%parallel_loop3A_230, %parallel_loop3A_231], %parallel_loop3A_234 {strides = array<i32>} : memref<256x64xf32, #tpu.memory_space<vmem>>, vector<1x16xf32>,
        %parallel_loop3A_235 = arith.addi %mul3A_82, %parallel_loop3A_217 : i32
        %parallel_loop3A_236 = arith.index_cast %parallel_loop3A_235 : i32 to index
        %parallel_loop3A_237 = arith.constant 16 : index
        %parallel_loop3A_238 = tpu.vector_load %arg7[%parallel_loop3A_236, %parallel_loop3A_237] {strides = array<i32>} : memref<256x64xf32, #tpu.memory_space<vmem>>, vector<1x16xf32>,
        %parallel_loop3A_239 = vector.shape_cast %parallel_loop3A_238 : vector<1x16xf32> to vector<16xf32>
        %parallel_loop3A_240 = arith.constant 1.000000e+00 : f32
        %parallel_loop3A_241 = vector.broadcast %parallel_loop3A_240 : f32 to vector<16xf32>
        %parallel_loop3A_242 = arith.addf %parallel_loop3A_239, %parallel_loop3A_241 : vector<16xf32>
        %parallel_loop3A_243 = arith.constant 0.000000e+00 : f32
        %parallel_loop3A_244 = vector.broadcast %parallel_loop3A_243 : f32 to vector<16xf32>
        %parallel_loop3A_245 = arith.maximumf %parallel_loop3A_242, %parallel_loop3A_244 : vector<16xf32>
        %parallel_loop3A_246 = arith.addi %mul3A_82, %parallel_loop3A_217 : i32
        %parallel_loop3A_247 = arith.index_cast %parallel_loop3A_246 : i32 to index
        %parallel_loop3A_248 = arith.constant 16 : index
        %parallel_loop3A_249 = tpu.vector_load %arg7[%parallel_loop3A_247, %parallel_loop3A_248] {strides = array<i32>} : memref<256x64xf32, #tpu.memory_space<vmem>>, vector<1x16xf32>,
        %parallel_loop3A_250 = vector.shape_cast %parallel_loop3A_249 : vector<1x16xf32> to vector<16xf32>
        %parallel_loop3A_251 = vector.shape_cast %parallel_loop3A_245 : vector<16xf32> to vector<1x16xf32>
        tpu.vector_store %arg7[%parallel_loop3A_247, %parallel_loop3A_248], %parallel_loop3A_251 {strides = array<i32>} : memref<256x64xf32, #tpu.memory_space<vmem>>, vector<1x16xf32>,
        %parallel_loop3A_252 = arith.addi %mul3A_82, %parallel_loop3A_217 : i32
        %parallel_loop3A_253 = arith.index_cast %parallel_loop3A_252 : i32 to index
        %parallel_loop3A_254 = arith.constant 32 : index
        %parallel_loop3A_255 = tpu.vector_load %arg7[%parallel_loop3A_253, %parallel_loop3A_254] {strides = array<i32>} : memref<256x64xf32, #tpu.memory_space<vmem>>, vector<1x16xf32>,
        %parallel_loop3A_256 = vector.shape_cast %parallel_loop3A_255 : vector<1x16xf32> to vector<16xf32>
        %parallel_loop3A_257 = arith.constant 1.000000e+00 : f32
        %parallel_loop3A_258 = vector.broadcast %parallel_loop3A_257 : f32 to vector<16xf32>
        %parallel_loop3A_259 = arith.addf %parallel_loop3A_256, %parallel_loop3A_258 : vector<16xf32>
        %parallel_loop3A_260 = arith.constant 0.000000e+00 : f32
        %parallel_loop3A_261 = vector.broadcast %parallel_loop3A_260 : f32 to vector<16xf32>
        %parallel_loop3A_262 = arith.maximumf %parallel_loop3A_259, %parallel_loop3A_261 : vector<16xf32>
        %parallel_loop3A_263 = arith.addi %mul3A_82, %parallel_loop3A_217 : i32
        %parallel_loop3A_264 = arith.index_cast %parallel_loop3A_263 : i32 to index
        %parallel_loop3A_265 = arith.constant 32 : index
        %parallel_loop3A_266 = tpu.vector_load %arg7[%parallel_loop3A_264, %parallel_loop3A_265] {strides = array<i32>} : memref<256x64xf32, #tpu.memory_space<vmem>>, vector<1x16xf32>,
        %parallel_loop3A_267 = vector.shape_cast %parallel_loop3A_266 : vector<1x16xf32> to vector<16xf32>
        %parallel_loop3A_268 = vector.shape_cast %parallel_loop3A_262 : vector<16xf32> to vector<1x16xf32>
        tpu.vector_store %arg7[%parallel_loop3A_264, %parallel_loop3A_265], %parallel_loop3A_268 {strides = array<i32>} : memref<256x64xf32, #tpu.memory_space<vmem>>, vector<1x16xf32>,
        %parallel_loop3A_269 = arith.addi %mul3A_82, %parallel_loop3A_217 : i32
        %parallel_loop3A_270 = arith.index_cast %parallel_loop3A_269 : i32 to index
        %parallel_loop3A_271 = arith.constant 48 : index
        %parallel_loop3A_272 = tpu.vector_load %arg7[%parallel_loop3A_270, %parallel_loop3A_271] {strides = array<i32>} : memref<256x64xf32, #tpu.memory_space<vmem>>, vector<1x16xf32>,
        %parallel_loop3A_273 = vector.shape_cast %parallel_loop3A_272 : vector<1x16xf32> to vector<16xf32>
        %parallel_loop3A_274 = arith.constant 1.000000e+00 : f32
        %parallel_loop3A_275 = vector.broadcast %parallel_loop3A_274 : f32 to vector<16xf32>
        %parallel_loop3A_276 = arith.addf %parallel_loop3A_273, %parallel_loop3A_275 : vector<16xf32>
        %parallel_loop3A_277 = arith.constant 0.000000e+00 : f32
        %parallel_loop3A_278 = vector.broadcast %parallel_loop3A_277 : f32 to vector<16xf32>
        %parallel_loop3A_279 = arith.maximumf %parallel_loop3A_276, %parallel_loop3A_278 : vector<16xf32>
        %parallel_loop3A_280 = arith.addi %mul3A_82, %parallel_loop3A_217 : i32
        %parallel_loop3A_281 = arith.index_cast %parallel_loop3A_280 : i32 to index
        %parallel_loop3A_282 = arith.constant 48 : index
        %parallel_loop3A_283 = tpu.vector_load %arg7[%parallel_loop3A_281, %parallel_loop3A_282] {strides = array<i32>} : memref<256x64xf32, #tpu.memory_space<vmem>>, vector<1x16xf32>,
        %parallel_loop3A_284 = vector.shape_cast %parallel_loop3A_283 : vector<1x16xf32> to vector<16xf32>
        %parallel_loop3A_285 = vector.shape_cast %parallel_loop3A_279 : vector<16xf32> to vector<1x16xf32>
        tpu.vector_store %arg7[%parallel_loop3A_281, %parallel_loop3A_282], %parallel_loop3A_285 {strides = array<i32>} : memref<256x64xf32, #tpu.memory_space<vmem>>, vector<1x16xf32>,
      } {sc.loop_unroll_factor = 4 : i64, sc.parallel_access}
      %dma_wait3A_119 = tpu.memref_slice %arg4[%add3A_69] : memref<320000xi32, #tpu.memory_space<hbm>> -> memref<128xi32, #tpu.memory_space<hbm>>
      %dma_wait3A_120 = tpu.memref_slice %arg4[%add3A_69] : memref<320000xi32, #tpu.memory_space<hbm>> -> memref<128xi32, #tpu.memory_space<hbm>>
      tpu.wait_dma2 semaphore(%arg26 : memref<!tpu.dma_semaphore, #tpu.memory_space<semaphore_mem>>) src(%dma_wait3A_120 : memref<128xi32, #tpu.memory_space<hbm>>) dst(%arg11 : memref<128xi32, #tpu.memory_space<vmem>>)
      %parallel_loop3A_121 = arith.constant 0 : i32
      %parallel_loop3A_122 = arith.constant 4 : i32
      %parallel_loop3A_123 = arith.constant 1 : i32
      scf.for %parallel_loop3A_217 = %parallel_loop3A_121 to %parallel_loop3A_122 step %parallel_loop3A_123  : i32 {
        %parallel_loop3A_218 = arith.constant 16 : i32
        %parallel_loop3A_219 = arith.muli %parallel_loop3A_217, %parallel_loop3A_218 : i32
        %parallel_loop3A_220 = arith.index_cast %parallel_loop3A_219 : i32 to index
        %parallel_loop3A_221 = tpu.vector_load %arg11[%parallel_loop3A_220] {strides = array<i32>} : memref<128xi32, #tpu.memory_space<vmem>>, vector<16xi32>,
        %parallel_loop3A_222 = vector.shape_cast %parallel_loop3A_221 : vector<16xi32> to vector<16xi32>
        %parallel_loop3A_223 = arith.constant 16 : i32
        %parallel_loop3A_224 = arith.muli %parallel_loop3A_217, %parallel_loop3A_223 : i32
        %parallel_loop3A_225 = arith.index_cast %parallel_loop3A_224 : i32 to index
        %parallel_loop3A_226 = tpu.vector_load %arg12[%parallel_loop3A_225] {strides = array<i32>} : memref<64xi32, #tpu.memory_space<vmem>>, vector<16xi32>,
        %parallel_loop3A_227 = vector.shape_cast %parallel_loop3A_226 : vector<16xi32> to vector<16xi32>
        %parallel_loop3A_228 = vector.shape_cast %parallel_loop3A_222 : vector<16xi32> to vector<16xi32>
        tpu.vector_store %arg12[%parallel_loop3A_225], %parallel_loop3A_228 {strides = array<i32>} : memref<64xi32, #tpu.memory_space<vmem>>, vector<16xi32>,
        %parallel_loop3A_229 = arith.constant 16 : i32
        %parallel_loop3A_230 = arith.muli %parallel_loop3A_217, %parallel_loop3A_229 : i32
        %parallel_loop3A_231 = arith.constant 64 : i32
        %parallel_loop3A_232 = arith.addi %parallel_loop3A_231, %parallel_loop3A_230 : i32
        %parallel_loop3A_233 = arith.index_cast %parallel_loop3A_232 : i32 to index
        %parallel_loop3A_234 = tpu.vector_load %arg11[%parallel_loop3A_233] {strides = array<i32>} : memref<128xi32, #tpu.memory_space<vmem>>, vector<16xi32>,
        %parallel_loop3A_235 = vector.shape_cast %parallel_loop3A_234 : vector<16xi32> to vector<16xi32>
        %parallel_loop3A_236 = arith.constant 16 : i32
        %parallel_loop3A_237 = arith.muli %parallel_loop3A_217, %parallel_loop3A_236 : i32
        %parallel_loop3A_238 = arith.index_cast %parallel_loop3A_237 : i32 to index
        %parallel_loop3A_239 = tpu.vector_load %arg13[%parallel_loop3A_238] {strides = array<i32>} : memref<64xi32, #tpu.memory_space<vmem>>, vector<16xi32>,
        %parallel_loop3A_240 = vector.shape_cast %parallel_loop3A_239 : vector<16xi32> to vector<16xi32>
        %parallel_loop3A_241 = vector.shape_cast %parallel_loop3A_235 : vector<16xi32> to vector<16xi32>
        tpu.vector_store %arg13[%parallel_loop3A_238], %parallel_loop3A_241 {strides = array<i32>} : memref<64xi32, #tpu.memory_space<vmem>>, vector<16xi32>,
      } {sc.loop_unroll_factor = 1 : i64, sc.parallel_access}
      %dma_start3A_124 = arith.constant 0 : i32
      %dma_start3A_125 = tpu.memref_slice %arg7[%mul3A_82, %dma_start3A_124] : memref<256x64xf32, #tpu.memory_space<vmem>> -> memref<128x64xf32, #tpu.memory_space<vmem>>
      %dma_start3A_126 = arith.constant 0 : i32
      %dma_start3A_127 = arith.constant 0 : i32
      %dma_start3A_128 = tpu.memref_slice %arg22[%dma_start3A_126, %dma_start3A_127] : memref<10240x64xf32, #tpu.memory_space<vmem_shared>> -> memref<10240x64xf32, #tpu.memory_space<vmem_shared>>
      tpu.enqueue_indirect_dma source(%dma_start3A_125 : memref<128x64xf32, #tpu.memory_space<vmem>>) target(%dma_start3A_128 : memref<10240x64xf32, #tpu.memory_space<vmem_shared>>) offsets(%arg11 : memref<128xi32, #tpu.memory_space<vmem>>) semaphore(%arg30 : memref<!tpu.dma_semaphore, #tpu.memory_space<semaphore_mem>>) {add = true}
      %dma_start3A_129 = arith.constant 0 : i32
      %dma_start3A_130 = tpu.memref_slice %arg24[%dma_start3A_129] : memref<10240xf32, #tpu.memory_space<vmem_shared>> -> memref<10240xf32, #tpu.memory_space<vmem_shared>>
      tpu.enqueue_indirect_dma source(%arg14 : memref<128xf32, #tpu.memory_space<vmem>>) target(%dma_start3A_130 : memref<10240xf32, #tpu.memory_space<vmem_shared>>) offsets(%arg11 : memref<128xi32, #tpu.memory_space<vmem>>) semaphore(%arg33 : memref<!tpu.dma_semaphore, #tpu.memory_space<semaphore_mem>>) {add = true}
      %add3A_131 = arith.constant 1 : i32
      %add3A_132 = arith.addi %scan3A_65, %add3A_131 : i32
      %lt3A_133 = arith.constant 156 : i32
      %lt3A_134 = arith.cmpi slt, %add3A_132, %lt3A_133 : i32
      %mul3A_135 = arith.constant 128 : i32
      %mul3A_136 = arith.muli %add3A_132, %mul3A_135 : i32
      %add3A_137 = arith.addi %mul3A_4, %mul3A_136 : i32
      %select_n3A_138 = arith.select %lt3A_134, %add3A_137, %mul3A_4 : i32
      %jit3A_139 = arith.constant 2 : i32
      %eq3A_140 = arith.constant 0 : i32
      %eq3A_141 = arith.cmpi eq, %jit3A_139, %eq3A_140 : i32
      %jit3A_142 = arith.constant 1 : i32
      %select_n3A_143 = arith.select %eq3A_141, %jit3A_142, %jit3A_139 : i32
      %rem3A_144 = arith.remsi %add3A_132, %select_n3A_143 : i32
      %ne3A_145 = arith.constant 0 : i32
      %ne3A_146 = arith.cmpi ne, %rem3A_144, %ne3A_145 : i32
      %lt3A_147 = arith.constant 0 : i32
      %lt3A_148 = arith.cmpi slt, %rem3A_144, %lt3A_147 : i32
      %lt3A_149 = arith.constant 0 : i32
      %lt3A_150 = arith.cmpi slt, %select_n3A_143, %lt3A_149 : i32
      %ne3A_151 = arith.xori %lt3A_148, %lt3A_150 : i1
      %and3A_152 = arith.andi %ne3A_151, %ne3A_146 : i1
      %add3A_153 = arith.addi %rem3A_144, %select_n3A_143 : i32
      %select_n3A_154 = arith.select %and3A_152, %add3A_153, %rem3A_144 : i32
      %mul3A_155 = arith.constant 128 : i32
      %mul3A_156 = arith.muli %select_n3A_154, %mul3A_155 : i32
      %dma_start3A_157 = arith.constant 0 : i32
      %dma_start3A_158 = tpu.memref_slice %arg7[%mul3A_156, %dma_start3A_157] : memref<256x64xf32, #tpu.memory_space<vmem>> -> memref<128x64xf32, #tpu.memory_space<vmem>>
      %dma_start3A_159 = tpu.memref_slice %arg5[%select_n3A_138, %mul3A_0] : memref<320000x128xf32, #tpu.memory_space<hbm>> -> memref<128x64xf32, #tpu.memory_space<hbm>>
      %dma_start3A_160 = arith.constant 0 : i32
      %dma_start3A_161 = tpu.memref_slice %arg7[%mul3A_156, %dma_start3A_160] : memref<256x64xf32, #tpu.memory_space<vmem>> -> memref<128x64xf32, #tpu.memory_space<vmem>>
      %dma_start3A_162 = tpu.memref_slice %arg5[%select_n3A_138, %mul3A_0] : memref<320000x128xf32, #tpu.memory_space<hbm>> -> memref<128x64xf32, #tpu.memory_space<hbm>>
      tpu.enqueue_dma source(%dma_start3A_162 : memref<128x64xf32, #tpu.memory_space<hbm>>) target(%dma_start3A_161 : memref<128x64xf32, #tpu.memory_space<vmem>>) target_semaphore(%arg27 : memref<!tpu.dma_semaphore, #tpu.memory_space<semaphore_mem>>)
      %dma_wait3A_163 = arith.constant 0 : i32
      %dma_wait3A_164 = arith.constant 0 : i32
      %dma_wait3A_165 = tpu.memref_slice %arg8[%dma_wait3A_163, %dma_wait3A_164] : memref<128x64xf32, #tpu.memory_space<vmem>> -> memref<64x64xf32, #tpu.memory_space<vmem>>
      %dma_wait3A_166 = arith.constant 0 : i32
      %dma_wait3A_167 = tpu.memref_slice %arg10[%dma_wait3A_166] : memref<128xi32, #tpu.memory_space<vmem>> -> memref<64xi32, #tpu.memory_space<vmem>>
      %dma_wait3A_168 = arith.constant 0 : i32
      %dma_wait3A_169 = arith.constant 0 : i32
      %dma_wait3A_170 = tpu.memref_slice %arg2[%dma_wait3A_168, %dma_wait3A_169] : memref<20480x64xf32, #tpu.memory_space<hbm>> -> memref<20480x64xf32, #tpu.memory_space<hbm>>
      tpu.wait_indirect_dma semaphore(%arg28 : memref<!tpu.dma_semaphore, #tpu.memory_space<semaphore_mem>>) src(%dma_wait3A_170 : memref<20480x64xf32, #tpu.memory_space<hbm>>) dst(%dma_wait3A_165 : memref<64x64xf32, #tpu.memory_space<vmem>>)
      %dma_wait3A_171 = arith.constant 64 : i32
      %dma_wait3A_172 = arith.constant 0 : i32
      %dma_wait3A_173 = tpu.memref_slice %arg8[%dma_wait3A_171, %dma_wait3A_172] : memref<128x64xf32, #tpu.memory_space<vmem>> -> memref<64x64xf32, #tpu.memory_space<vmem>>
      %dma_wait3A_174 = arith.constant 64 : i32
      %dma_wait3A_175 = tpu.memref_slice %arg10[%dma_wait3A_174] : memref<128xi32, #tpu.memory_space<vmem>> -> memref<64xi32, #tpu.memory_space<vmem>>
      %dma_wait3A_176 = arith.constant 0 : i32
      %dma_wait3A_177 = arith.constant 0 : i32
      %dma_wait3A_178 = tpu.memref_slice %arg2[%dma_wait3A_176, %dma_wait3A_177] : memref<20480x64xf32, #tpu.memory_space<hbm>> -> memref<20480x64xf32, #tpu.memory_space<hbm>>
      tpu.wait_indirect_dma semaphore(%arg29 : memref<!tpu.dma_semaphore, #tpu.memory_space<semaphore_mem>>) src(%dma_wait3A_178 : memref<20480x64xf32, #tpu.memory_space<hbm>>) dst(%dma_wait3A_173 : memref<64x64xf32, #tpu.memory_space<vmem>>)
      %parallel_loop3A_179 = arith.constant 0 : i32
      %parallel_loop3A_180 = arith.constant 64 : i32
      %parallel_loop3A_181 = arith.constant 1 : i32
      scf.for %parallel_loop3A_217 = %parallel_loop3A_179 to %parallel_loop3A_180 step %parallel_loop3A_181  : i32 {
        %parallel_loop3A_218 = arith.addi %mul3A_82, %parallel_loop3A_217 : i32
        %parallel_loop3A_219 = arith.index_cast %parallel_loop3A_218 : i32 to index
        %parallel_loop3A_220 = arith.constant 0 : index
        %parallel_loop3A_221 = tpu.vector_load %arg7[%parallel_loop3A_219, %parallel_loop3A_220] {strides = array<i32>} : memref<256x64xf32, #tpu.memory_space<vmem>>, vector<1x16xf32>,
        %parallel_loop3A_222 = vector.shape_cast %parallel_loop3A_221 : vector<1x16xf32> to vector<16xf32>
        %parallel_loop3A_223 = arith.index_cast %parallel_loop3A_217 : i32 to index
        %parallel_loop3A_224 = arith.constant 0 : index
        %parallel_loop3A_225 = tpu.vector_load %arg8[%parallel_loop3A_223, %parallel_loop3A_224] {strides = array<i32>} : memref<128x64xf32, #tpu.memory_space<vmem>>, vector<1x16xf32>,
        %parallel_loop3A_226 = vector.shape_cast %parallel_loop3A_225 : vector<1x16xf32> to vector<16xf32>
        %parallel_loop3A_227 = arith.mulf %parallel_loop3A_222, %parallel_loop3A_226 : vector<16xf32>
        %parallel_loop3A_228 = arith.index_cast %parallel_loop3A_217 : i32 to index
        %parallel_loop3A_229 = arith.constant 0 : index
        %parallel_loop3A_230 = tpu.vector_load %arg9[%parallel_loop3A_228, %parallel_loop3A_229] {strides = array<i32>} : memref<128x64xf32, #tpu.memory_space<vmem>>, vector<1x16xf32>,
        %parallel_loop3A_231 = vector.shape_cast %parallel_loop3A_230 : vector<1x16xf32> to vector<16xf32>
        %parallel_loop3A_232 = vector.shape_cast %parallel_loop3A_227 : vector<16xf32> to vector<1x16xf32>
        tpu.vector_store %arg9[%parallel_loop3A_228, %parallel_loop3A_229], %parallel_loop3A_232 {strides = array<i32>} : memref<128x64xf32, #tpu.memory_space<vmem>>, vector<1x16xf32>,
        %parallel_loop3A_233 = arith.addi %mul3A_82, %parallel_loop3A_217 : i32
        %parallel_loop3A_234 = arith.index_cast %parallel_loop3A_233 : i32 to index
        %parallel_loop3A_235 = arith.constant 16 : index
        %parallel_loop3A_236 = tpu.vector_load %arg7[%parallel_loop3A_234, %parallel_loop3A_235] {strides = array<i32>} : memref<256x64xf32, #tpu.memory_space<vmem>>, vector<1x16xf32>,
        %parallel_loop3A_237 = vector.shape_cast %parallel_loop3A_236 : vector<1x16xf32> to vector<16xf32>
        %parallel_loop3A_238 = arith.index_cast %parallel_loop3A_217 : i32 to index
        %parallel_loop3A_239 = arith.constant 16 : index
        %parallel_loop3A_240 = tpu.vector_load %arg8[%parallel_loop3A_238, %parallel_loop3A_239] {strides = array<i32>} : memref<128x64xf32, #tpu.memory_space<vmem>>, vector<1x16xf32>,
        %parallel_loop3A_241 = vector.shape_cast %parallel_loop3A_240 : vector<1x16xf32> to vector<16xf32>
        %parallel_loop3A_242 = arith.mulf %parallel_loop3A_237, %parallel_loop3A_241 : vector<16xf32>
        %parallel_loop3A_243 = arith.index_cast %parallel_loop3A_217 : i32 to index
        %parallel_loop3A_244 = arith.constant 16 : index
        %parallel_loop3A_245 = tpu.vector_load %arg9[%parallel_loop3A_243, %parallel_loop3A_244] {strides = array<i32>} : memref<128x64xf32, #tpu.memory_space<vmem>>, vector<1x16xf32>,
        %parallel_loop3A_246 = vector.shape_cast %parallel_loop3A_245 : vector<1x16xf32> to vector<16xf32>
        %parallel_loop3A_247 = vector.shape_cast %parallel_loop3A_242 : vector<16xf32> to vector<1x16xf32>
        tpu.vector_store %arg9[%parallel_loop3A_243, %parallel_loop3A_244], %parallel_loop3A_247 {strides = array<i32>} : memref<128x64xf32, #tpu.memory_space<vmem>>, vector<1x16xf32>,
        %parallel_loop3A_248 = arith.addi %mul3A_82, %parallel_loop3A_217 : i32
        %parallel_loop3A_249 = arith.index_cast %parallel_loop3A_248 : i32 to index
        %parallel_loop3A_250 = arith.constant 32 : index
        %parallel_loop3A_251 = tpu.vector_load %arg7[%parallel_loop3A_249, %parallel_loop3A_250] {strides = array<i32>} : memref<256x64xf32, #tpu.memory_space<vmem>>, vector<1x16xf32>,
        %parallel_loop3A_252 = vector.shape_cast %parallel_loop3A_251 : vector<1x16xf32> to vector<16xf32>
        %parallel_loop3A_253 = arith.index_cast %parallel_loop3A_217 : i32 to index
        %parallel_loop3A_254 = arith.constant 32 : index
        %parallel_loop3A_255 = tpu.vector_load %arg8[%parallel_loop3A_253, %parallel_loop3A_254] {strides = array<i32>} : memref<128x64xf32, #tpu.memory_space<vmem>>, vector<1x16xf32>,
        %parallel_loop3A_256 = vector.shape_cast %parallel_loop3A_255 : vector<1x16xf32> to vector<16xf32>
        %parallel_loop3A_257 = arith.mulf %parallel_loop3A_252, %parallel_loop3A_256 : vector<16xf32>
        %parallel_loop3A_258 = arith.index_cast %parallel_loop3A_217 : i32 to index
        %parallel_loop3A_259 = arith.constant 32 : index
        %parallel_loop3A_260 = tpu.vector_load %arg9[%parallel_loop3A_258, %parallel_loop3A_259] {strides = array<i32>} : memref<128x64xf32, #tpu.memory_space<vmem>>, vector<1x16xf32>,
        %parallel_loop3A_261 = vector.shape_cast %parallel_loop3A_260 : vector<1x16xf32> to vector<16xf32>
        %parallel_loop3A_262 = vector.shape_cast %parallel_loop3A_257 : vector<16xf32> to vector<1x16xf32>
        tpu.vector_store %arg9[%parallel_loop3A_258, %parallel_loop3A_259], %parallel_loop3A_262 {strides = array<i32>} : memref<128x64xf32, #tpu.memory_space<vmem>>, vector<1x16xf32>,
        %parallel_loop3A_263 = arith.addi %mul3A_82, %parallel_loop3A_217 : i32
        %parallel_loop3A_264 = arith.index_cast %parallel_loop3A_263 : i32 to index
        %parallel_loop3A_265 = arith.constant 48 : index
        %parallel_loop3A_266 = tpu.vector_load %arg7[%parallel_loop3A_264, %parallel_loop3A_265] {strides = array<i32>} : memref<256x64xf32, #tpu.memory_space<vmem>>, vector<1x16xf32>,
        %parallel_loop3A_267 = vector.shape_cast %parallel_loop3A_266 : vector<1x16xf32> to vector<16xf32>
        %parallel_loop3A_268 = arith.index_cast %parallel_loop3A_217 : i32 to index
        %parallel_loop3A_269 = arith.constant 48 : index
        %parallel_loop3A_270 = tpu.vector_load %arg8[%parallel_loop3A_268, %parallel_loop3A_269] {strides = array<i32>} : memref<128x64xf32, #tpu.memory_space<vmem>>, vector<1x16xf32>,
        %parallel_loop3A_271 = vector.shape_cast %parallel_loop3A_270 : vector<1x16xf32> to vector<16xf32>
        %parallel_loop3A_272 = arith.mulf %parallel_loop3A_267, %parallel_loop3A_271 : vector<16xf32>
        %parallel_loop3A_273 = arith.index_cast %parallel_loop3A_217 : i32 to index
        %parallel_loop3A_274 = arith.constant 48 : index
        %parallel_loop3A_275 = tpu.vector_load %arg9[%parallel_loop3A_273, %parallel_loop3A_274] {strides = array<i32>} : memref<128x64xf32, #tpu.memory_space<vmem>>, vector<1x16xf32>,
        %parallel_loop3A_276 = vector.shape_cast %parallel_loop3A_275 : vector<1x16xf32> to vector<16xf32>
        %parallel_loop3A_277 = vector.shape_cast %parallel_loop3A_272 : vector<16xf32> to vector<1x16xf32>
        tpu.vector_store %arg9[%parallel_loop3A_273, %parallel_loop3A_274], %parallel_loop3A_277 {strides = array<i32>} : memref<128x64xf32, #tpu.memory_space<vmem>>, vector<1x16xf32>,
      } {sc.loop_unroll_factor = 4 : i64, sc.parallel_access}
      %dma_start3A_182 = arith.constant 0 : i32
      %dma_start3A_183 = arith.constant 0 : i32
      %dma_start3A_184 = tpu.memref_slice %arg9[%dma_start3A_182, %dma_start3A_183] : memref<128x64xf32, #tpu.memory_space<vmem>> -> memref<64x64xf32, #tpu.memory_space<vmem>>
      %dma_start3A_185 = arith.constant 0 : i32
      %dma_start3A_186 = arith.constant 0 : i32
      %dma_start3A_187 = tpu.memref_slice %arg23[%dma_start3A_185, %dma_start3A_186] : memref<10240x64xf32, #tpu.memory_space<vmem_shared>> -> memref<10240x64xf32, #tpu.memory_space<vmem_shared>>
      tpu.enqueue_indirect_dma source(%dma_start3A_184 : memref<64x64xf32, #tpu.memory_space<vmem>>) target(%dma_start3A_187 : memref<10240x64xf32, #tpu.memory_space<vmem_shared>>) offsets(%arg12 : memref<64xi32, #tpu.memory_space<vmem>>) semaphore(%arg31 : memref<!tpu.dma_semaphore, #tpu.memory_space<semaphore_mem>>) {add = true}
      %parallel_loop3A_188 = arith.constant 64 : i32
      %parallel_loop3A_189 = arith.constant 128 : i32
      %parallel_loop3A_190 = arith.constant 1 : i32
      scf.for %parallel_loop3A_217 = %parallel_loop3A_188 to %parallel_loop3A_189 step %parallel_loop3A_190  : i32 {
        %parallel_loop3A_218 = arith.addi %mul3A_82, %parallel_loop3A_217 : i32
        %parallel_loop3A_219 = arith.index_cast %parallel_loop3A_218 : i32 to index
        %parallel_loop3A_220 = arith.constant 0 : index
        %parallel_loop3A_221 = tpu.vector_load %arg7[%parallel_loop3A_219, %parallel_loop3A_220] {strides = array<i32>} : memref<256x64xf32, #tpu.memory_space<vmem>>, vector<1x16xf32>,
        %parallel_loop3A_222 = vector.shape_cast %parallel_loop3A_221 : vector<1x16xf32> to vector<16xf32>
        %parallel_loop3A_223 = arith.index_cast %parallel_loop3A_217 : i32 to index
        %parallel_loop3A_224 = arith.constant 0 : index
        %parallel_loop3A_225 = tpu.vector_load %arg8[%parallel_loop3A_223, %parallel_loop3A_224] {strides = array<i32>} : memref<128x64xf32, #tpu.memory_space<vmem>>, vector<1x16xf32>,
        %parallel_loop3A_226 = vector.shape_cast %parallel_loop3A_225 : vector<1x16xf32> to vector<16xf32>
        %parallel_loop3A_227 = arith.mulf %parallel_loop3A_222, %parallel_loop3A_226 : vector<16xf32>
        %parallel_loop3A_228 = arith.index_cast %parallel_loop3A_217 : i32 to index
        %parallel_loop3A_229 = arith.constant 0 : index
        %parallel_loop3A_230 = tpu.vector_load %arg9[%parallel_loop3A_228, %parallel_loop3A_229] {strides = array<i32>} : memref<128x64xf32, #tpu.memory_space<vmem>>, vector<1x16xf32>,
        %parallel_loop3A_231 = vector.shape_cast %parallel_loop3A_230 : vector<1x16xf32> to vector<16xf32>
        %parallel_loop3A_232 = vector.shape_cast %parallel_loop3A_227 : vector<16xf32> to vector<1x16xf32>
        tpu.vector_store %arg9[%parallel_loop3A_228, %parallel_loop3A_229], %parallel_loop3A_232 {strides = array<i32>} : memref<128x64xf32, #tpu.memory_space<vmem>>, vector<1x16xf32>,
        %parallel_loop3A_233 = arith.addi %mul3A_82, %parallel_loop3A_217 : i32
        %parallel_loop3A_234 = arith.index_cast %parallel_loop3A_233 : i32 to index
        %parallel_loop3A_235 = arith.constant 16 : index
        %parallel_loop3A_236 = tpu.vector_load %arg7[%parallel_loop3A_234, %parallel_loop3A_235] {strides = array<i32>} : memref<256x64xf32, #tpu.memory_space<vmem>>, vector<1x16xf32>,
        %parallel_loop3A_237 = vector.shape_cast %parallel_loop3A_236 : vector<1x16xf32> to vector<16xf32>
        %parallel_loop3A_238 = arith.index_cast %parallel_loop3A_217 : i32 to index
        %parallel_loop3A_239 = arith.constant 16 : index
        %parallel_loop3A_240 = tpu.vector_load %arg8[%parallel_loop3A_238, %parallel_loop3A_239] {strides = array<i32>} : memref<128x64xf32, #tpu.memory_space<vmem>>, vector<1x16xf32>,
        %parallel_loop3A_241 = vector.shape_cast %parallel_loop3A_240 : vector<1x16xf32> to vector<16xf32>
        %parallel_loop3A_242 = arith.mulf %parallel_loop3A_237, %parallel_loop3A_241 : vector<16xf32>
        %parallel_loop3A_243 = arith.index_cast %parallel_loop3A_217 : i32 to index
        %parallel_loop3A_244 = arith.constant 16 : index
        %parallel_loop3A_245 = tpu.vector_load %arg9[%parallel_loop3A_243, %parallel_loop3A_244] {strides = array<i32>} : memref<128x64xf32, #tpu.memory_space<vmem>>, vector<1x16xf32>,
        %parallel_loop3A_246 = vector.shape_cast %parallel_loop3A_245 : vector<1x16xf32> to vector<16xf32>
        %parallel_loop3A_247 = vector.shape_cast %parallel_loop3A_242 : vector<16xf32> to vector<1x16xf32>
        tpu.vector_store %arg9[%parallel_loop3A_243, %parallel_loop3A_244], %parallel_loop3A_247 {strides = array<i32>} : memref<128x64xf32, #tpu.memory_space<vmem>>, vector<1x16xf32>,
        %parallel_loop3A_248 = arith.addi %mul3A_82, %parallel_loop3A_217 : i32
        %parallel_loop3A_249 = arith.index_cast %parallel_loop3A_248 : i32 to index
        %parallel_loop3A_250 = arith.constant 32 : index
        %parallel_loop3A_251 = tpu.vector_load %arg7[%parallel_loop3A_249, %parallel_loop3A_250] {strides = array<i32>} : memref<256x64xf32, #tpu.memory_space<vmem>>, vector<1x16xf32>,
        %parallel_loop3A_252 = vector.shape_cast %parallel_loop3A_251 : vector<1x16xf32> to vector<16xf32>
        %parallel_loop3A_253 = arith.index_cast %parallel_loop3A_217 : i32 to index
        %parallel_loop3A_254 = arith.constant 32 : index
        %parallel_loop3A_255 = tpu.vector_load %arg8[%parallel_loop3A_253, %parallel_loop3A_254] {strides = array<i32>} : memref<128x64xf32, #tpu.memory_space<vmem>>, vector<1x16xf32>,
        %parallel_loop3A_256 = vector.shape_cast %parallel_loop3A_255 : vector<1x16xf32> to vector<16xf32>
        %parallel_loop3A_257 = arith.mulf %parallel_loop3A_252, %parallel_loop3A_256 : vector<16xf32>
        %parallel_loop3A_258 = arith.index_cast %parallel_loop3A_217 : i32 to index
        %parallel_loop3A_259 = arith.constant 32 : index
        %parallel_loop3A_260 = tpu.vector_load %arg9[%parallel_loop3A_258, %parallel_loop3A_259] {strides = array<i32>} : memref<128x64xf32, #tpu.memory_space<vmem>>, vector<1x16xf32>,
        %parallel_loop3A_261 = vector.shape_cast %parallel_loop3A_260 : vector<1x16xf32> to vector<16xf32>
        %parallel_loop3A_262 = vector.shape_cast %parallel_loop3A_257 : vector<16xf32> to vector<1x16xf32>
        tpu.vector_store %arg9[%parallel_loop3A_258, %parallel_loop3A_259], %parallel_loop3A_262 {strides = array<i32>} : memref<128x64xf32, #tpu.memory_space<vmem>>, vector<1x16xf32>,
        %parallel_loop3A_263 = arith.addi %mul3A_82, %parallel_loop3A_217 : i32
        %parallel_loop3A_264 = arith.index_cast %parallel_loop3A_263 : i32 to index
        %parallel_loop3A_265 = arith.constant 48 : index
        %parallel_loop3A_266 = tpu.vector_load %arg7[%parallel_loop3A_264, %parallel_loop3A_265] {strides = array<i32>} : memref<256x64xf32, #tpu.memory_space<vmem>>, vector<1x16xf32>,
        %parallel_loop3A_267 = vector.shape_cast %parallel_loop3A_266 : vector<1x16xf32> to vector<16xf32>
        %parallel_loop3A_268 = arith.index_cast %parallel_loop3A_217 : i32 to index
        %parallel_loop3A_269 = arith.constant 48 : index
        %parallel_loop3A_270 = tpu.vector_load %arg8[%parallel_loop3A_268, %parallel_loop3A_269] {strides = array<i32>} : memref<128x64xf32, #tpu.memory_space<vmem>>, vector<1x16xf32>,
        %parallel_loop3A_271 = vector.shape_cast %parallel_loop3A_270 : vector<1x16xf32> to vector<16xf32>
        %parallel_loop3A_272 = arith.mulf %parallel_loop3A_267, %parallel_loop3A_271 : vector<16xf32>
        %parallel_loop3A_273 = arith.index_cast %parallel_loop3A_217 : i32 to index
        %parallel_loop3A_274 = arith.constant 48 : index
        %parallel_loop3A_275 = tpu.vector_load %arg9[%parallel_loop3A_273, %parallel_loop3A_274] {strides = array<i32>} : memref<128x64xf32, #tpu.memory_space<vmem>>, vector<1x16xf32>,
        %parallel_loop3A_276 = vector.shape_cast %parallel_loop3A_275 : vector<1x16xf32> to vector<16xf32>
        %parallel_loop3A_277 = vector.shape_cast %parallel_loop3A_272 : vector<16xf32> to vector<1x16xf32>
        tpu.vector_store %arg9[%parallel_loop3A_273, %parallel_loop3A_274], %parallel_loop3A_277 {strides = array<i32>} : memref<128x64xf32, #tpu.memory_space<vmem>>, vector<1x16xf32>,
      } {sc.loop_unroll_factor = 4 : i64, sc.parallel_access}
      %dma_start3A_191 = arith.constant 64 : i32
      %dma_start3A_192 = arith.constant 0 : i32
      %dma_start3A_193 = tpu.memref_slice %arg9[%dma_start3A_191, %dma_start3A_192] : memref<128x64xf32, #tpu.memory_space<vmem>> -> memref<64x64xf32, #tpu.memory_space<vmem>>
      %dma_start3A_194 = arith.constant 0 : i32
      %dma_start3A_195 = arith.constant 0 : i32
      %dma_start3A_196 = tpu.memref_slice %arg23[%dma_start3A_194, %dma_start3A_195] : memref<10240x64xf32, #tpu.memory_space<vmem_shared>> -> memref<10240x64xf32, #tpu.memory_space<vmem_shared>>
      tpu.enqueue_indirect_dma source(%dma_start3A_193 : memref<64x64xf32, #tpu.memory_space<vmem>>) target(%dma_start3A_196 : memref<10240x64xf32, #tpu.memory_space<vmem_shared>>) offsets(%arg13 : memref<64xi32, #tpu.memory_space<vmem>>) semaphore(%arg32 : memref<!tpu.dma_semaphore, #tpu.memory_space<semaphore_mem>>) {add = true}
      %dma_wait3A_197 = arith.constant 0 : i32
      %dma_wait3A_198 = tpu.memref_slice %arg7[%mul3A_82, %dma_wait3A_197] : memref<256x64xf32, #tpu.memory_space<vmem>> -> memref<128x64xf32, #tpu.memory_space<vmem>>
      %dma_wait3A_199 = arith.constant 0 : i32
      %dma_wait3A_200 = arith.constant 0 : i32
      %dma_wait3A_201 = tpu.memref_slice %arg22[%dma_wait3A_199, %dma_wait3A_200] : memref<10240x64xf32, #tpu.memory_space<vmem_shared>> -> memref<10240x64xf32, #tpu.memory_space<vmem_shared>>
      tpu.wait_indirect_dma semaphore(%arg30 : memref<!tpu.dma_semaphore, #tpu.memory_space<semaphore_mem>>) src(%dma_wait3A_198 : memref<128x64xf32, #tpu.memory_space<vmem>>) dst(%dma_wait3A_201 : memref<10240x64xf32, #tpu.memory_space<vmem_shared>>)
      %dma_wait3A_202 = arith.constant 0 : i32
      %dma_wait3A_203 = tpu.memref_slice %arg24[%dma_wait3A_202] : memref<10240xf32, #tpu.memory_space<vmem_shared>> -> memref<10240xf32, #tpu.memory_space<vmem_shared>>
      tpu.wait_indirect_dma semaphore(%arg33 : memref<!tpu.dma_semaphore, #tpu.memory_space<semaphore_mem>>) src(%arg14 : memref<128xf32, #tpu.memory_space<vmem>>) dst(%dma_wait3A_203 : memref<10240xf32, #tpu.memory_space<vmem_shared>>)
      %dma_wait3A_204 = arith.constant 0 : i32
      %dma_wait3A_205 = arith.constant 0 : i32
      %dma_wait3A_206 = tpu.memref_slice %arg9[%dma_wait3A_204, %dma_wait3A_205] : memref<128x64xf32, #tpu.memory_space<vmem>> -> memref<64x64xf32, #tpu.memory_space<vmem>>
      %dma_wait3A_207 = arith.constant 0 : i32
      %dma_wait3A_208 = arith.constant 0 : i32
      %dma_wait3A_209 = tpu.memref_slice %arg23[%dma_wait3A_207, %dma_wait3A_208] : memref<10240x64xf32, #tpu.memory_space<vmem_shared>> -> memref<10240x64xf32, #tpu.memory_space<vmem_shared>>
      tpu.wait_indirect_dma semaphore(%arg31 : memref<!tpu.dma_semaphore, #tpu.memory_space<semaphore_mem>>) src(%dma_wait3A_206 : memref<64x64xf32, #tpu.memory_space<vmem>>) dst(%dma_wait3A_209 : memref<10240x64xf32, #tpu.memory_space<vmem_shared>>)
      %dma_wait3A_210 = arith.constant 64 : i32
      %dma_wait3A_211 = arith.constant 0 : i32
      %dma_wait3A_212 = tpu.memref_slice %arg9[%dma_wait3A_210, %dma_wait3A_211] : memref<128x64xf32, #tpu.memory_space<vmem>> -> memref<64x64xf32, #tpu.memory_space<vmem>>
      %dma_wait3A_213 = arith.constant 0 : i32
      %dma_wait3A_214 = arith.constant 0 : i32
      %dma_wait3A_215 = tpu.memref_slice %arg23[%dma_wait3A_213, %dma_wait3A_214] : memref<10240x64xf32, #tpu.memory_space<vmem_shared>> -> memref<10240x64xf32, #tpu.memory_space<vmem_shared>>
      tpu.wait_indirect_dma semaphore(%arg32 : memref<!tpu.dma_semaphore, #tpu.memory_space<semaphore_mem>>) src(%dma_wait3A_212 : memref<64x64xf32, #tpu.memory_space<vmem>>) dst(%dma_wait3A_215 : memref<10240x64xf32, #tpu.memory_space<vmem_shared>>)
      %scan3A_216 = arith.constant 0 : i32
      scf.yield %scan3A_216 : i32
    }
    %scan3A_35 = arith.constant 156 : i32
    %dma_wait3A = arith.constant 0 : i32
    %dma_wait3A_36 = arith.constant 0 : i32
    %dma_wait3A_37 = tpu.memref_slice %arg7[%dma_wait3A, %dma_wait3A_36] : memref<256x64xf32, #tpu.memory_space<vmem>> -> memref<128x64xf32, #tpu.memory_space<vmem>>
    %dma_wait3A_38 = tpu.memref_slice %arg5[%mul3A_4, %mul3A_0] : memref<320000x128xf32, #tpu.memory_space<hbm>> -> memref<128x64xf32, #tpu.memory_space<hbm>>
    %dma_wait3A_39 = arith.constant 0 : i32
    %dma_wait3A_40 = arith.constant 0 : i32
    %dma_wait3A_41 = tpu.memref_slice %arg7[%dma_wait3A_39, %dma_wait3A_40] : memref<256x64xf32, #tpu.memory_space<vmem>> -> memref<128x64xf32, #tpu.memory_space<vmem>>
    %dma_wait3A_42 = tpu.memref_slice %arg5[%mul3A_4, %mul3A_0] : memref<320000x128xf32, #tpu.memory_space<hbm>> -> memref<128x64xf32, #tpu.memory_space<hbm>>
    tpu.wait_dma2 semaphore(%arg27 : memref<!tpu.dma_semaphore, #tpu.memory_space<semaphore_mem>>) src(%dma_wait3A_42 : memref<128x64xf32, #tpu.memory_space<hbm>>) dst(%dma_wait3A_41 : memref<128x64xf32, #tpu.memory_space<vmem>>)
    %add3A_43 = arith.constant 19968 : i32
    %add3A_44 = arith.addi %mul3A_4, %add3A_43 : i32
    "tpu.region"() ({
      %run_scoped3A = tpu.sem_alloc : memref<!tpu.dma_semaphore, #tpu.memory_space<semaphore_mem>>
      %dma_start3A_65 = tpu.memref_slice %arg3[%add3A_44] : memref<320000xi32, #tpu.memory_space<hbm>> -> memref<32xi32, #tpu.memory_space<hbm>>
      %dma_start3A_66 = tpu.memref_slice %arg3[%add3A_44] : memref<320000xi32, #tpu.memory_space<hbm>> -> memref<32xi32, #tpu.memory_space<hbm>>
      tpu.enqueue_dma source(%dma_start3A_66 : memref<32xi32, #tpu.memory_space<hbm>>) target(%arg19 : memref<32xi32, #tpu.memory_space<vmem>>) target_semaphore(%run_scoped3A : memref<!tpu.dma_semaphore, #tpu.memory_space<semaphore_mem>>)
      %dma_wait3A_67 = tpu.memref_slice %arg3[%add3A_44] : memref<320000xi32, #tpu.memory_space<hbm>> -> memref<32xi32, #tpu.memory_space<hbm>>
      %dma_wait3A_68 = tpu.memref_slice %arg3[%add3A_44] : memref<320000xi32, #tpu.memory_space<hbm>> -> memref<32xi32, #tpu.memory_space<hbm>>
      tpu.wait_dma2 semaphore(%run_scoped3A : memref<!tpu.dma_semaphore, #tpu.memory_space<semaphore_mem>>) src(%dma_wait3A_68 : memref<32xi32, #tpu.memory_space<hbm>>) dst(%arg19 : memref<32xi32, #tpu.memory_space<vmem>>)
      tpu.yield
    }) : () -> ()
    "tpu.region"() ({
      %run_scoped3A = tpu.sem_alloc : memref<!tpu.dma_semaphore, #tpu.memory_space<semaphore_mem>>
      %dma_start3A_65 = tpu.memref_slice %arg4[%add3A_44] : memref<320000xi32, #tpu.memory_space<hbm>> -> memref<32xi32, #tpu.memory_space<hbm>>
      %dma_start3A_66 = tpu.memref_slice %arg4[%add3A_44] : memref<320000xi32, #tpu.memory_space<hbm>> -> memref<32xi32, #tpu.memory_space<hbm>>
      tpu.enqueue_dma source(%dma_start3A_66 : memref<32xi32, #tpu.memory_space<hbm>>) target(%arg20 : memref<32xi32, #tpu.memory_space<vmem>>) target_semaphore(%run_scoped3A : memref<!tpu.dma_semaphore, #tpu.memory_space<semaphore_mem>>)
      %dma_wait3A_67 = tpu.memref_slice %arg4[%add3A_44] : memref<320000xi32, #tpu.memory_space<hbm>> -> memref<32xi32, #tpu.memory_space<hbm>>
      %dma_wait3A_68 = tpu.memref_slice %arg4[%add3A_44] : memref<320000xi32, #tpu.memory_space<hbm>> -> memref<32xi32, #tpu.memory_space<hbm>>
      tpu.wait_dma2 semaphore(%run_scoped3A : memref<!tpu.dma_semaphore, #tpu.memory_space<semaphore_mem>>) src(%dma_wait3A_68 : memref<32xi32, #tpu.memory_space<hbm>>) dst(%arg20 : memref<32xi32, #tpu.memory_space<vmem>>)
      tpu.yield
    }) : () -> ()
    "tpu.region"() ({
      %run_scoped3A = tpu.sem_alloc : memref<!tpu.dma_semaphore, #tpu.memory_space<semaphore_mem>>
      %dma_start3A_65 = tpu.memref_slice %arg5[%add3A_44, %mul3A_0] : memref<320000x128xf32, #tpu.memory_space<hbm>> -> memref<32x64xf32, #tpu.memory_space<hbm>>
      %dma_start3A_66 = tpu.memref_slice %arg5[%add3A_44, %mul3A_0] : memref<320000x128xf32, #tpu.memory_space<hbm>> -> memref<32x64xf32, #tpu.memory_space<hbm>>
      tpu.enqueue_dma source(%dma_start3A_66 : memref<32x64xf32, #tpu.memory_space<hbm>>) target(%arg16 : memref<32x64xf32, #tpu.memory_space<vmem>>) target_semaphore(%run_scoped3A : memref<!tpu.dma_semaphore, #tpu.memory_space<semaphore_mem>>)
      %dma_wait3A_67 = tpu.memref_slice %arg5[%add3A_44, %mul3A_0] : memref<320000x128xf32, #tpu.memory_space<hbm>> -> memref<32x64xf32, #tpu.memory_space<hbm>>
      %dma_wait3A_68 = tpu.memref_slice %arg5[%add3A_44, %mul3A_0] : memref<320000x128xf32, #tpu.memory_space<hbm>> -> memref<32x64xf32, #tpu.memory_space<hbm>>
      tpu.wait_dma2 semaphore(%run_scoped3A : memref<!tpu.dma_semaphore, #tpu.memory_space<semaphore_mem>>) src(%dma_wait3A_68 : memref<32x64xf32, #tpu.memory_space<hbm>>) dst(%arg16 : memref<32x64xf32, #tpu.memory_space<vmem>>)
      tpu.yield
    }) : () -> ()
    %parallel_loop3A_45 = arith.constant 0 : i32
    %parallel_loop3A_46 = arith.constant 2 : i32
    %parallel_loop3A_47 = arith.constant 1 : i32
    scf.for %parallel_loop3A_65 = %parallel_loop3A_45 to %parallel_loop3A_46 step %parallel_loop3A_47  : i32 {
      %parallel_loop3A_66 = arith.constant 16 : i32
      %parallel_loop3A_67 = arith.muli %parallel_loop3A_65, %parallel_loop3A_66 : i32
      %parallel_loop3A_68 = arith.index_cast %parallel_loop3A_67 : i32 to index
      %parallel_loop3A_69 = tpu.vector_load %arg19[%parallel_loop3A_68] {strides = array<i32>} : memref<32xi32, #tpu.memory_space<vmem>>, vector<16xi32>,
      %parallel_loop3A_70 = vector.shape_cast %parallel_loop3A_69 : vector<16xi32> to vector<16xi32>
      %parallel_loop3A_71 = arith.addi %parallel_loop3A_70, %broadcast_in_dim3A : vector<16xi32>
      %parallel_loop3A_72 = arith.constant 16 : i32
      %parallel_loop3A_73 = arith.muli %parallel_loop3A_65, %parallel_loop3A_72 : i32
      %parallel_loop3A_74 = arith.index_cast %parallel_loop3A_73 : i32 to index
      %parallel_loop3A_75 = tpu.vector_load %arg19[%parallel_loop3A_74] {strides = array<i32>} : memref<32xi32, #tpu.memory_space<vmem>>, vector<16xi32>,
      %parallel_loop3A_76 = vector.shape_cast %parallel_loop3A_75 : vector<16xi32> to vector<16xi32>
      %parallel_loop3A_77 = vector.shape_cast %parallel_loop3A_71 : vector<16xi32> to vector<16xi32>
      tpu.vector_store %arg19[%parallel_loop3A_74], %parallel_loop3A_77 {strides = array<i32>} : memref<32xi32, #tpu.memory_space<vmem>>, vector<16xi32>,
    } {sc.loop_unroll_factor = 1 : i64, sc.parallel_access}
    %dma_start3A_48 = arith.constant 0 : i32
    %dma_start3A_49 = arith.constant 0 : i32
    %dma_start3A_50 = tpu.memref_slice %arg2[%dma_start3A_48, %dma_start3A_49] : memref<20480x64xf32, #tpu.memory_space<hbm>> -> memref<20480x64xf32, #tpu.memory_space<hbm>>
    tpu.enqueue_indirect_dma source(%dma_start3A_50 : memref<20480x64xf32, #tpu.memory_space<hbm>>) target(%arg17 : memref<32x64xf32, #tpu.memory_space<vmem>>) offsets(%arg19 : memref<32xi32, #tpu.memory_space<vmem>>) semaphore(%arg28 : memref<!tpu.dma_semaphore, #tpu.memory_space<semaphore_mem>>)
    %dma_wait3A_51 = arith.constant 0 : i32
    %dma_wait3A_52 = arith.constant 0 : i32
    %dma_wait3A_53 = tpu.memref_slice %arg2[%dma_wait3A_51, %dma_wait3A_52] : memref<20480x64xf32, #tpu.memory_space<hbm>> -> memref<20480x64xf32, #tpu.memory_space<hbm>>
    tpu.wait_indirect_dma semaphore(%arg28 : memref<!tpu.dma_semaphore, #tpu.memory_space<semaphore_mem>>) src(%dma_wait3A_53 : memref<20480x64xf32, #tpu.memory_space<hbm>>) dst(%arg17 : memref<32x64xf32, #tpu.memory_space<vmem>>)
    %parallel_loop3A_54 = arith.constant 0 : i32
    %parallel_loop3A_55 = arith.constant 32 : i32
    %parallel_loop3A_56 = arith.constant 1 : i32
    scf.for %parallel_loop3A_65 = %parallel_loop3A_54 to %parallel_loop3A_55 step %parallel_loop3A_56  : i32 {
      %parallel_loop3A_66 = arith.index_cast %parallel_loop3A_65 : i32 to index
      %parallel_loop3A_67 = arith.constant 0 : index
      %parallel_loop3A_68 = tpu.vector_load %arg16[%parallel_loop3A_66, %parallel_loop3A_67] {strides = array<i32>} : memref<32x64xf32, #tpu.memory_space<vmem>>, vector<1x16xf32>,
      %parallel_loop3A_69 = vector.shape_cast %parallel_loop3A_68 : vector<1x16xf32> to vector<16xf32>
      %parallel_loop3A_70 = arith.constant 1.000000e+00 : f32
      %parallel_loop3A_71 = vector.broadcast %parallel_loop3A_70 : f32 to vector<16xf32>
      %parallel_loop3A_72 = arith.addf %parallel_loop3A_69, %parallel_loop3A_71 : vector<16xf32>
      %parallel_loop3A_73 = arith.constant 0.000000e+00 : f32
      %parallel_loop3A_74 = vector.broadcast %parallel_loop3A_73 : f32 to vector<16xf32>
      %parallel_loop3A_75 = arith.maximumf %parallel_loop3A_72, %parallel_loop3A_74 : vector<16xf32>
      %parallel_loop3A_76 = arith.index_cast %parallel_loop3A_65 : i32 to index
      %parallel_loop3A_77 = arith.constant 0 : index
      %parallel_loop3A_78 = tpu.vector_load %arg16[%parallel_loop3A_76, %parallel_loop3A_77] {strides = array<i32>} : memref<32x64xf32, #tpu.memory_space<vmem>>, vector<1x16xf32>,
      %parallel_loop3A_79 = vector.shape_cast %parallel_loop3A_78 : vector<1x16xf32> to vector<16xf32>
      %parallel_loop3A_80 = vector.shape_cast %parallel_loop3A_75 : vector<16xf32> to vector<1x16xf32>
      tpu.vector_store %arg16[%parallel_loop3A_76, %parallel_loop3A_77], %parallel_loop3A_80 {strides = array<i32>} : memref<32x64xf32, #tpu.memory_space<vmem>>, vector<1x16xf32>,
      %parallel_loop3A_81 = arith.index_cast %parallel_loop3A_65 : i32 to index
      %parallel_loop3A_82 = arith.constant 0 : index
      %parallel_loop3A_83 = tpu.vector_load %arg17[%parallel_loop3A_81, %parallel_loop3A_82] {strides = array<i32>} : memref<32x64xf32, #tpu.memory_space<vmem>>, vector<1x16xf32>,
      %parallel_loop3A_84 = vector.shape_cast %parallel_loop3A_83 : vector<1x16xf32> to vector<16xf32>
      %parallel_loop3A_85 = arith.mulf %parallel_loop3A_75, %parallel_loop3A_84 : vector<16xf32>
      %parallel_loop3A_86 = arith.index_cast %parallel_loop3A_65 : i32 to index
      %parallel_loop3A_87 = arith.constant 0 : index
      %parallel_loop3A_88 = tpu.vector_load %arg18[%parallel_loop3A_86, %parallel_loop3A_87] {strides = array<i32>} : memref<32x64xf32, #tpu.memory_space<vmem>>, vector<1x16xf32>,
      %parallel_loop3A_89 = vector.shape_cast %parallel_loop3A_88 : vector<1x16xf32> to vector<16xf32>
      %parallel_loop3A_90 = vector.shape_cast %parallel_loop3A_85 : vector<16xf32> to vector<1x16xf32>
      tpu.vector_store %arg18[%parallel_loop3A_86, %parallel_loop3A_87], %parallel_loop3A_90 {strides = array<i32>} : memref<32x64xf32, #tpu.memory_space<vmem>>, vector<1x16xf32>,
      %parallel_loop3A_91 = arith.index_cast %parallel_loop3A_65 : i32 to index
      %parallel_loop3A_92 = arith.constant 16 : index
      %parallel_loop3A_93 = tpu.vector_load %arg16[%parallel_loop3A_91, %parallel_loop3A_92] {strides = array<i32>} : memref<32x64xf32, #tpu.memory_space<vmem>>, vector<1x16xf32>,
      %parallel_loop3A_94 = vector.shape_cast %parallel_loop3A_93 : vector<1x16xf32> to vector<16xf32>
      %parallel_loop3A_95 = arith.constant 1.000000e+00 : f32
      %parallel_loop3A_96 = vector.broadcast %parallel_loop3A_95 : f32 to vector<16xf32>
      %parallel_loop3A_97 = arith.addf %parallel_loop3A_94, %parallel_loop3A_96 : vector<16xf32>
      %parallel_loop3A_98 = arith.constant 0.000000e+00 : f32
      %parallel_loop3A_99 = vector.broadcast %parallel_loop3A_98 : f32 to vector<16xf32>
      %parallel_loop3A_100 = arith.maximumf %parallel_loop3A_97, %parallel_loop3A_99 : vector<16xf32>
      %parallel_loop3A_101 = arith.index_cast %parallel_loop3A_65 : i32 to index
      %parallel_loop3A_102 = arith.constant 16 : index
      %parallel_loop3A_103 = tpu.vector_load %arg16[%parallel_loop3A_101, %parallel_loop3A_102] {strides = array<i32>} : memref<32x64xf32, #tpu.memory_space<vmem>>, vector<1x16xf32>,
      %parallel_loop3A_104 = vector.shape_cast %parallel_loop3A_103 : vector<1x16xf32> to vector<16xf32>
      %parallel_loop3A_105 = vector.shape_cast %parallel_loop3A_100 : vector<16xf32> to vector<1x16xf32>
      tpu.vector_store %arg16[%parallel_loop3A_101, %parallel_loop3A_102], %parallel_loop3A_105 {strides = array<i32>} : memref<32x64xf32, #tpu.memory_space<vmem>>, vector<1x16xf32>,
      %parallel_loop3A_106 = arith.index_cast %parallel_loop3A_65 : i32 to index
      %parallel_loop3A_107 = arith.constant 16 : index
      %parallel_loop3A_108 = tpu.vector_load %arg17[%parallel_loop3A_106, %parallel_loop3A_107] {strides = array<i32>} : memref<32x64xf32, #tpu.memory_space<vmem>>, vector<1x16xf32>,
      %parallel_loop3A_109 = vector.shape_cast %parallel_loop3A_108 : vector<1x16xf32> to vector<16xf32>
      %parallel_loop3A_110 = arith.mulf %parallel_loop3A_100, %parallel_loop3A_109 : vector<16xf32>
      %parallel_loop3A_111 = arith.index_cast %parallel_loop3A_65 : i32 to index
      %parallel_loop3A_112 = arith.constant 16 : index
      %parallel_loop3A_113 = tpu.vector_load %arg18[%parallel_loop3A_111, %parallel_loop3A_112] {strides = array<i32>} : memref<32x64xf32, #tpu.memory_space<vmem>>, vector<1x16xf32>,
      %parallel_loop3A_114 = vector.shape_cast %parallel_loop3A_113 : vector<1x16xf32> to vector<16xf32>
      %parallel_loop3A_115 = vector.shape_cast %parallel_loop3A_110 : vector<16xf32> to vector<1x16xf32>
      tpu.vector_store %arg18[%parallel_loop3A_111, %parallel_loop3A_112], %parallel_loop3A_115 {strides = array<i32>} : memref<32x64xf32, #tpu.memory_space<vmem>>, vector<1x16xf32>,
      %parallel_loop3A_116 = arith.index_cast %parallel_loop3A_65 : i32 to index
      %parallel_loop3A_117 = arith.constant 32 : index
      %parallel_loop3A_118 = tpu.vector_load %arg16[%parallel_loop3A_116, %parallel_loop3A_117] {strides = array<i32>} : memref<32x64xf32, #tpu.memory_space<vmem>>, vector<1x16xf32>,
      %parallel_loop3A_119 = vector.shape_cast %parallel_loop3A_118 : vector<1x16xf32> to vector<16xf32>
      %parallel_loop3A_120 = arith.constant 1.000000e+00 : f32
      %parallel_loop3A_121 = vector.broadcast %parallel_loop3A_120 : f32 to vector<16xf32>
      %parallel_loop3A_122 = arith.addf %parallel_loop3A_119, %parallel_loop3A_121 : vector<16xf32>
      %parallel_loop3A_123 = arith.constant 0.000000e+00 : f32
      %parallel_loop3A_124 = vector.broadcast %parallel_loop3A_123 : f32 to vector<16xf32>
      %parallel_loop3A_125 = arith.maximumf %parallel_loop3A_122, %parallel_loop3A_124 : vector<16xf32>
      %parallel_loop3A_126 = arith.index_cast %parallel_loop3A_65 : i32 to index
      %parallel_loop3A_127 = arith.constant 32 : index
      %parallel_loop3A_128 = tpu.vector_load %arg16[%parallel_loop3A_126, %parallel_loop3A_127] {strides = array<i32>} : memref<32x64xf32, #tpu.memory_space<vmem>>, vector<1x16xf32>,
      %parallel_loop3A_129 = vector.shape_cast %parallel_loop3A_128 : vector<1x16xf32> to vector<16xf32>
      %parallel_loop3A_130 = vector.shape_cast %parallel_loop3A_125 : vector<16xf32> to vector<1x16xf32>
      tpu.vector_store %arg16[%parallel_loop3A_126, %parallel_loop3A_127], %parallel_loop3A_130 {strides = array<i32>} : memref<32x64xf32, #tpu.memory_space<vmem>>, vector<1x16xf32>,
      %parallel_loop3A_131 = arith.index_cast %parallel_loop3A_65 : i32 to index
      %parallel_loop3A_132 = arith.constant 32 : index
      %parallel_loop3A_133 = tpu.vector_load %arg17[%parallel_loop3A_131, %parallel_loop3A_132] {strides = array<i32>} : memref<32x64xf32, #tpu.memory_space<vmem>>, vector<1x16xf32>,
      %parallel_loop3A_134 = vector.shape_cast %parallel_loop3A_133 : vector<1x16xf32> to vector<16xf32>
      %parallel_loop3A_135 = arith.mulf %parallel_loop3A_125, %parallel_loop3A_134 : vector<16xf32>
      %parallel_loop3A_136 = arith.index_cast %parallel_loop3A_65 : i32 to index
      %parallel_loop3A_137 = arith.constant 32 : index
      %parallel_loop3A_138 = tpu.vector_load %arg18[%parallel_loop3A_136, %parallel_loop3A_137] {strides = array<i32>} : memref<32x64xf32, #tpu.memory_space<vmem>>, vector<1x16xf32>,
      %parallel_loop3A_139 = vector.shape_cast %parallel_loop3A_138 : vector<1x16xf32> to vector<16xf32>
      %parallel_loop3A_140 = vector.shape_cast %parallel_loop3A_135 : vector<16xf32> to vector<1x16xf32>
      tpu.vector_store %arg18[%parallel_loop3A_136, %parallel_loop3A_137], %parallel_loop3A_140 {strides = array<i32>} : memref<32x64xf32, #tpu.memory_space<vmem>>, vector<1x16xf32>,
      %parallel_loop3A_141 = arith.index_cast %parallel_loop3A_65 : i32 to index
      %parallel_loop3A_142 = arith.constant 48 : index
      %parallel_loop3A_143 = tpu.vector_load %arg16[%parallel_loop3A_141, %parallel_loop3A_142] {strides = array<i32>} : memref<32x64xf32, #tpu.memory_space<vmem>>, vector<1x16xf32>,
      %parallel_loop3A_144 = vector.shape_cast %parallel_loop3A_143 : vector<1x16xf32> to vector<16xf32>
      %parallel_loop3A_145 = arith.constant 1.000000e+00 : f32
      %parallel_loop3A_146 = vector.broadcast %parallel_loop3A_145 : f32 to vector<16xf32>
      %parallel_loop3A_147 = arith.addf %parallel_loop3A_144, %parallel_loop3A_146 : vector<16xf32>
      %parallel_loop3A_148 = arith.constant 0.000000e+00 : f32
      %parallel_loop3A_149 = vector.broadcast %parallel_loop3A_148 : f32 to vector<16xf32>
      %parallel_loop3A_150 = arith.maximumf %parallel_loop3A_147, %parallel_loop3A_149 : vector<16xf32>
      %parallel_loop3A_151 = arith.index_cast %parallel_loop3A_65 : i32 to index
      %parallel_loop3A_152 = arith.constant 48 : index
      %parallel_loop3A_153 = tpu.vector_load %arg16[%parallel_loop3A_151, %parallel_loop3A_152] {strides = array<i32>} : memref<32x64xf32, #tpu.memory_space<vmem>>, vector<1x16xf32>,
      %parallel_loop3A_154 = vector.shape_cast %parallel_loop3A_153 : vector<1x16xf32> to vector<16xf32>
      %parallel_loop3A_155 = vector.shape_cast %parallel_loop3A_150 : vector<16xf32> to vector<1x16xf32>
      tpu.vector_store %arg16[%parallel_loop3A_151, %parallel_loop3A_152], %parallel_loop3A_155 {strides = array<i32>} : memref<32x64xf32, #tpu.memory_space<vmem>>, vector<1x16xf32>,
      %parallel_loop3A_156 = arith.index_cast %parallel_loop3A_65 : i32 to index
      %parallel_loop3A_157 = arith.constant 48 : index
      %parallel_loop3A_158 = tpu.vector_load %arg17[%parallel_loop3A_156, %parallel_loop3A_157] {strides = array<i32>} : memref<32x64xf32, #tpu.memory_space<vmem>>, vector<1x16xf32>,
      %parallel_loop3A_159 = vector.shape_cast %parallel_loop3A_158 : vector<1x16xf32> to vector<16xf32>
      %parallel_loop3A_160 = arith.mulf %parallel_loop3A_150, %parallel_loop3A_159 : vector<16xf32>
      %parallel_loop3A_161 = arith.index_cast %parallel_loop3A_65 : i32 to index
      %parallel_loop3A_162 = arith.constant 48 : index
      %parallel_loop3A_163 = tpu.vector_load %arg18[%parallel_loop3A_161, %parallel_loop3A_162] {strides = array<i32>} : memref<32x64xf32, #tpu.memory_space<vmem>>, vector<1x16xf32>,
      %parallel_loop3A_164 = vector.shape_cast %parallel_loop3A_163 : vector<1x16xf32> to vector<16xf32>
      %parallel_loop3A_165 = vector.shape_cast %parallel_loop3A_160 : vector<16xf32> to vector<1x16xf32>
      tpu.vector_store %arg18[%parallel_loop3A_161, %parallel_loop3A_162], %parallel_loop3A_165 {strides = array<i32>} : memref<32x64xf32, #tpu.memory_space<vmem>>, vector<1x16xf32>,
    } {sc.loop_unroll_factor = 1 : i64, sc.parallel_access}
    "tpu.region"() ({
      %run_scoped3A = tpu.sem_alloc : memref<!tpu.dma_semaphore, #tpu.memory_space<semaphore_mem>>
      %dma_start3A_65 = arith.constant 0 : i32
      %dma_start3A_66 = arith.constant 0 : i32
      %dma_start3A_67 = tpu.memref_slice %arg22[%dma_start3A_65, %dma_start3A_66] : memref<10240x64xf32, #tpu.memory_space<vmem_shared>> -> memref<10240x64xf32, #tpu.memory_space<vmem_shared>>
      tpu.enqueue_indirect_dma source(%arg16 : memref<32x64xf32, #tpu.memory_space<vmem>>) target(%dma_start3A_67 : memref<10240x64xf32, #tpu.memory_space<vmem_shared>>) offsets(%arg20 : memref<32xi32, #tpu.memory_space<vmem>>) semaphore(%run_scoped3A : memref<!tpu.dma_semaphore, #tpu.memory_space<semaphore_mem>>) {add = true}
      %dma_wait3A_68 = arith.constant 0 : i32
      %dma_wait3A_69 = arith.constant 0 : i32
      %dma_wait3A_70 = tpu.memref_slice %arg22[%dma_wait3A_68, %dma_wait3A_69] : memref<10240x64xf32, #tpu.memory_space<vmem_shared>> -> memref<10240x64xf32, #tpu.memory_space<vmem_shared>>
      tpu.wait_indirect_dma semaphore(%run_scoped3A : memref<!tpu.dma_semaphore, #tpu.memory_space<semaphore_mem>>) src(%arg16 : memref<32x64xf32, #tpu.memory_space<vmem>>) dst(%dma_wait3A_70 : memref<10240x64xf32, #tpu.memory_space<vmem_shared>>)
      tpu.yield
    }) : () -> ()
    "tpu.region"() ({
      %run_scoped3A = tpu.sem_alloc : memref<!tpu.dma_semaphore, #tpu.memory_space<semaphore_mem>>
      %dma_start3A_65 = arith.constant 0 : i32
      %dma_start3A_66 = arith.constant 0 : i32
      %dma_start3A_67 = tpu.memref_slice %arg23[%dma_start3A_65, %dma_start3A_66] : memref<10240x64xf32, #tpu.memory_space<vmem_shared>> -> memref<10240x64xf32, #tpu.memory_space<vmem_shared>>
      tpu.enqueue_indirect_dma source(%arg18 : memref<32x64xf32, #tpu.memory_space<vmem>>) target(%dma_start3A_67 : memref<10240x64xf32, #tpu.memory_space<vmem_shared>>) offsets(%arg20 : memref<32xi32, #tpu.memory_space<vmem>>) semaphore(%run_scoped3A : memref<!tpu.dma_semaphore, #tpu.memory_space<semaphore_mem>>) {add = true}
      %dma_wait3A_68 = arith.constant 0 : i32
      %dma_wait3A_69 = arith.constant 0 : i32
      %dma_wait3A_70 = tpu.memref_slice %arg23[%dma_wait3A_68, %dma_wait3A_69] : memref<10240x64xf32, #tpu.memory_space<vmem_shared>> -> memref<10240x64xf32, #tpu.memory_space<vmem_shared>>
      tpu.wait_indirect_dma semaphore(%run_scoped3A : memref<!tpu.dma_semaphore, #tpu.memory_space<semaphore_mem>>) src(%arg18 : memref<32x64xf32, #tpu.memory_space<vmem>>) dst(%dma_wait3A_70 : memref<10240x64xf32, #tpu.memory_space<vmem_shared>>)
      tpu.yield
    }) : () -> ()
    "tpu.region"() ({
      %run_scoped3A = tpu.sem_alloc : memref<!tpu.dma_semaphore, #tpu.memory_space<semaphore_mem>>
      %dma_start3A_65 = arith.constant 0 : i32
      %dma_start3A_66 = tpu.memref_slice %arg14[%dma_start3A_65] : memref<128xf32, #tpu.memory_space<vmem>> -> memref<32xf32, #tpu.memory_space<vmem>>
      %dma_start3A_67 = arith.constant 0 : i32
      %dma_start3A_68 = tpu.memref_slice %arg24[%dma_start3A_67] : memref<10240xf32, #tpu.memory_space<vmem_shared>> -> memref<10240xf32, #tpu.memory_space<vmem_shared>>
      tpu.enqueue_indirect_dma source(%dma_start3A_66 : memref<32xf32, #tpu.memory_space<vmem>>) target(%dma_start3A_68 : memref<10240xf32, #tpu.memory_space<vmem_shared>>) offsets(%arg20 : memref<32xi32, #tpu.memory_space<vmem>>) semaphore(%run_scoped3A : memref<!tpu.dma_semaphore, #tpu.memory_space<semaphore_mem>>) {add = true}
      %dma_wait3A_69 = arith.constant 0 : i32
      %dma_wait3A_70 = tpu.memref_slice %arg14[%dma_wait3A_69] : memref<128xf32, #tpu.memory_space<vmem>> -> memref<32xf32, #tpu.memory_space<vmem>>
      %dma_wait3A_71 = arith.constant 0 : i32
      %dma_wait3A_72 = tpu.memref_slice %arg24[%dma_wait3A_71] : memref<10240xf32, #tpu.memory_space<vmem_shared>> -> memref<10240xf32, #tpu.memory_space<vmem_shared>>
      tpu.wait_indirect_dma semaphore(%run_scoped3A : memref<!tpu.dma_semaphore, #tpu.memory_space<semaphore_mem>>) src(%dma_wait3A_70 : memref<32xf32, #tpu.memory_space<vmem>>) dst(%dma_wait3A_72 : memref<10240xf32, #tpu.memory_space<vmem_shared>>)
      tpu.yield
    }) : () -> ()
    %barrier3A_57 = arith.constant 0 : index
    tpu.barrier barrier_id(%barrier3A_57)
    "tpu.region"() ({
      %run_scoped3A = tpu.sem_alloc : memref<!tpu.dma_semaphore, #tpu.memory_space<semaphore_mem>>
      %dma_start3A_65 = tpu.memref_slice %arg24[%mul3A_2] : memref<10240xf32, #tpu.memory_space<vmem_shared>> -> memref<640xf32, #tpu.memory_space<vmem_shared>>
      tpu.enqueue_dma source(%dma_start3A_65 : memref<640xf32, #tpu.memory_space<vmem_shared>>) target(%arg21 : memref<640xf32, #tpu.memory_space<smem>>) target_semaphore(%run_scoped3A : memref<!tpu.dma_semaphore, #tpu.memory_space<semaphore_mem>>)
      %dma_wait3A_66 = tpu.memref_slice %arg24[%mul3A_2] : memref<10240xf32, #tpu.memory_space<vmem_shared>> -> memref<640xf32, #tpu.memory_space<vmem_shared>>
      tpu.wait_dma2 semaphore(%run_scoped3A : memref<!tpu.dma_semaphore, #tpu.memory_space<semaphore_mem>>) src(%dma_wait3A_66 : memref<640xf32, #tpu.memory_space<vmem_shared>>) dst(%arg21 : memref<640xf32, #tpu.memory_space<smem>>)
      tpu.yield
    }) : () -> ()
    %scan3A_58 = arith.constant 0 : i32
    %scan3A_59 = arith.constant 0 : i32
    %scan3A_60 = arith.constant 5 : i32
    %scan3A_61 = arith.addi %scan3A_59, %scan3A_60 : i32
    %scan3A_62 = arith.constant 1 : i32
    %scan3A_63 = scf.for %scan3A_65 = %scan3A_59 to %scan3A_61 step %scan3A_62 iter_args(%scan3A_66 = %scan3A_58) -> (i32)  : i32 {
      %mul3A_67 = arith.constant 128 : i32
      %mul3A_68 = arith.muli %scan3A_65, %mul3A_67 : i32
      %add3A_69 = arith.addi %mul3A_2, %mul3A_68 : i32
      "tpu.region"() ({
        %run_scoped3A = tpu.sem_alloc : memref<!tpu.dma_semaphore, #tpu.memory_space<semaphore_mem>>
        %dma_start3A_74 = arith.constant 0 : i32
        %dma_start3A_75 = arith.constant 0 : i32
        %dma_start3A_76 = tpu.memref_slice %arg7[%dma_start3A_74, %dma_start3A_75] : memref<256x64xf32, #tpu.memory_space<vmem>> -> memref<128x64xf32, #tpu.memory_space<vmem>>
        %dma_start3A_77 = arith.constant 0 : i32
        %dma_start3A_78 = tpu.memref_slice %arg22[%add3A_69, %dma_start3A_77] : memref<10240x64xf32, #tpu.memory_space<vmem_shared>> -> memref<128x64xf32, #tpu.memory_space<vmem_shared>>
        %dma_start3A_79 = arith.constant 0 : i32
        %dma_start3A_80 = arith.constant 0 : i32
        %dma_start3A_81 = tpu.memref_slice %arg7[%dma_start3A_79, %dma_start3A_80] : memref<256x64xf32, #tpu.memory_space<vmem>> -> memref<128x64xf32, #tpu.memory_space<vmem>>
        %dma_start3A_82 = arith.constant 0 : i32
        %dma_start3A_83 = tpu.memref_slice %arg22[%add3A_69, %dma_start3A_82] : memref<10240x64xf32, #tpu.memory_space<vmem_shared>> -> memref<128x64xf32, #tpu.memory_space<vmem_shared>>
        tpu.enqueue_dma source(%dma_start3A_83 : memref<128x64xf32, #tpu.memory_space<vmem_shared>>) target(%dma_start3A_81 : memref<128x64xf32, #tpu.memory_space<vmem>>) target_semaphore(%run_scoped3A : memref<!tpu.dma_semaphore, #tpu.memory_space<semaphore_mem>>)
        %dma_wait3A_84 = arith.constant 0 : i32
        %dma_wait3A_85 = arith.constant 0 : i32
        %dma_wait3A_86 = tpu.memref_slice %arg7[%dma_wait3A_84, %dma_wait3A_85] : memref<256x64xf32, #tpu.memory_space<vmem>> -> memref<128x64xf32, #tpu.memory_space<vmem>>
        %dma_wait3A_87 = arith.constant 0 : i32
        %dma_wait3A_88 = tpu.memref_slice %arg22[%add3A_69, %dma_wait3A_87] : memref<10240x64xf32, #tpu.memory_space<vmem_shared>> -> memref<128x64xf32, #tpu.memory_space<vmem_shared>>
        %dma_wait3A_89 = arith.constant 0 : i32
        %dma_wait3A_90 = arith.constant 0 : i32
        %dma_wait3A_91 = tpu.memref_slice %arg7[%dma_wait3A_89, %dma_wait3A_90] : memref<256x64xf32, #tpu.memory_space<vmem>> -> memref<128x64xf32, #tpu.memory_space<vmem>>
        %dma_wait3A_92 = arith.constant 0 : i32
        %dma_wait3A_93 = tpu.memref_slice %arg22[%add3A_69, %dma_wait3A_92] : memref<10240x64xf32, #tpu.memory_space<vmem_shared>> -> memref<128x64xf32, #tpu.memory_space<vmem_shared>>
        tpu.wait_dma2 semaphore(%run_scoped3A : memref<!tpu.dma_semaphore, #tpu.memory_space<semaphore_mem>>) src(%dma_wait3A_93 : memref<128x64xf32, #tpu.memory_space<vmem_shared>>) dst(%dma_wait3A_91 : memref<128x64xf32, #tpu.memory_space<vmem>>)
        tpu.yield
      }) : () -> ()
      "tpu.region"() ({
        %run_scoped3A = tpu.sem_alloc : memref<!tpu.dma_semaphore, #tpu.memory_space<semaphore_mem>>
        %dma_start3A_74 = arith.constant 0 : i32
        %dma_start3A_75 = tpu.memref_slice %arg23[%add3A_69, %dma_start3A_74] : memref<10240x64xf32, #tpu.memory_space<vmem_shared>> -> memref<128x64xf32, #tpu.memory_space<vmem_shared>>
        %dma_start3A_76 = arith.constant 0 : i32
        %dma_start3A_77 = tpu.memref_slice %arg23[%add3A_69, %dma_start3A_76] : memref<10240x64xf32, #tpu.memory_space<vmem_shared>> -> memref<128x64xf32, #tpu.memory_space<vmem_shared>>
        tpu.enqueue_dma source(%dma_start3A_77 : memref<128x64xf32, #tpu.memory_space<vmem_shared>>) target(%arg8 : memref<128x64xf32, #tpu.memory_space<vmem>>) target_semaphore(%run_scoped3A : memref<!tpu.dma_semaphore, #tpu.memory_space<semaphore_mem>>)
        %dma_wait3A_78 = arith.constant 0 : i32
        %dma_wait3A_79 = tpu.memref_slice %arg23[%add3A_69, %dma_wait3A_78] : memref<10240x64xf32, #tpu.memory_space<vmem_shared>> -> memref<128x64xf32, #tpu.memory_space<vmem_shared>>
        %dma_wait3A_80 = arith.constant 0 : i32
        %dma_wait3A_81 = tpu.memref_slice %arg23[%add3A_69, %dma_wait3A_80] : memref<10240x64xf32, #tpu.memory_space<vmem_shared>> -> memref<128x64xf32, #tpu.memory_space<vmem_shared>>
        tpu.wait_dma2 semaphore(%run_scoped3A : memref<!tpu.dma_semaphore, #tpu.memory_space<semaphore_mem>>) src(%dma_wait3A_81 : memref<128x64xf32, #tpu.memory_space<vmem_shared>>) dst(%arg8 : memref<128x64xf32, #tpu.memory_space<vmem>>)
        tpu.yield
      }) : () -> ()
      %parallel_loop3A_70 = arith.constant 0 : i32
      %parallel_loop3A_71 = arith.constant 128 : i32
      %parallel_loop3A_72 = arith.constant 1 : i32
      scf.for %parallel_loop3A_74 = %parallel_loop3A_70 to %parallel_loop3A_71 step %parallel_loop3A_72  : i32 {
        %parallel_loop3A_75 = arith.constant 128 : i32
        %parallel_loop3A_76 = arith.muli %scan3A_65, %parallel_loop3A_75 : i32
        %parallel_loop3A_77 = arith.addi %parallel_loop3A_76, %parallel_loop3A_74 : i32
        %parallel_loop3A_78 = arith.index_cast %parallel_loop3A_77 : i32 to index
        %parallel_loop3A_79 = memref.load %arg21[%parallel_loop3A_78] : memref<640xf32, #tpu.memory_space<smem>>
        %parallel_loop3A_80 = vector.broadcast %parallel_loop3A_79 : f32 to vector<16xf32>
        %parallel_loop3A_81 = arith.index_cast %parallel_loop3A_74 : i32 to index
        %parallel_loop3A_82 = arith.constant 0 : index
        %parallel_loop3A_83 = tpu.vector_load %arg7[%parallel_loop3A_81, %parallel_loop3A_82] {strides = array<i32>} : memref<256x64xf32, #tpu.memory_space<vmem>>, vector<1x16xf32>,
        %parallel_loop3A_84 = vector.shape_cast %parallel_loop3A_83 : vector<1x16xf32> to vector<16xf32>
        %parallel_loop3A_85 = arith.constant 0.000000e+00 : f32
        %parallel_loop3A_86 = vector.broadcast %parallel_loop3A_85 : f32 to vector<16xf32>
        %parallel_loop3A_87 = arith.cmpf one, %parallel_loop3A_84, %parallel_loop3A_86 : vector<16xf32>
        %parallel_loop3A_88 = arith.constant 1.000000e+00 : f32
        %parallel_loop3A_89 = vector.broadcast %parallel_loop3A_88 : f32 to vector<16xf32>
        %parallel_loop3A_90 = arith.select %parallel_loop3A_87, %parallel_loop3A_84, %parallel_loop3A_89 : vector<16xi1>, vector<16xf32>
        %parallel_loop3A_91 = arith.divf %parallel_loop3A_80, %parallel_loop3A_90 : vector<16xf32>
        %parallel_loop3A_92 = arith.constant 0.000000e+00 : f32
        %parallel_loop3A_93 = vector.broadcast %parallel_loop3A_92 : f32 to vector<16xf32>
        %parallel_loop3A_94 = arith.select %parallel_loop3A_87, %parallel_loop3A_91, %parallel_loop3A_93 : vector<16xi1>, vector<16xf32>
        %parallel_loop3A_95 = arith.index_cast %parallel_loop3A_74 : i32 to index
        %parallel_loop3A_96 = arith.constant 0 : index
        %parallel_loop3A_97 = tpu.vector_load %arg8[%parallel_loop3A_95, %parallel_loop3A_96] {strides = array<i32>} : memref<128x64xf32, #tpu.memory_space<vmem>>, vector<1x16xf32>,
        %parallel_loop3A_98 = vector.shape_cast %parallel_loop3A_97 : vector<1x16xf32> to vector<16xf32>
        %parallel_loop3A_99 = arith.mulf %parallel_loop3A_94, %parallel_loop3A_98 : vector<16xf32>
        %parallel_loop3A_100 = arith.index_cast %parallel_loop3A_74 : i32 to index
        %parallel_loop3A_101 = arith.constant 0 : index
        %parallel_loop3A_102 = tpu.vector_load %arg9[%parallel_loop3A_100, %parallel_loop3A_101] {strides = array<i32>} : memref<128x64xf32, #tpu.memory_space<vmem>>, vector<1x16xf32>,
        %parallel_loop3A_103 = vector.shape_cast %parallel_loop3A_102 : vector<1x16xf32> to vector<16xf32>
        %parallel_loop3A_104 = vector.shape_cast %parallel_loop3A_99 : vector<16xf32> to vector<1x16xf32>
        tpu.vector_store %arg9[%parallel_loop3A_100, %parallel_loop3A_101], %parallel_loop3A_104 {strides = array<i32>} : memref<128x64xf32, #tpu.memory_space<vmem>>, vector<1x16xf32>,
        %parallel_loop3A_105 = arith.index_cast %parallel_loop3A_74 : i32 to index
        %parallel_loop3A_106 = arith.constant 16 : index
        %parallel_loop3A_107 = tpu.vector_load %arg7[%parallel_loop3A_105, %parallel_loop3A_106] {strides = array<i32>} : memref<256x64xf32, #tpu.memory_space<vmem>>, vector<1x16xf32>,
        %parallel_loop3A_108 = vector.shape_cast %parallel_loop3A_107 : vector<1x16xf32> to vector<16xf32>
        %parallel_loop3A_109 = arith.constant 0.000000e+00 : f32
        %parallel_loop3A_110 = vector.broadcast %parallel_loop3A_109 : f32 to vector<16xf32>
        %parallel_loop3A_111 = arith.cmpf one, %parallel_loop3A_108, %parallel_loop3A_110 : vector<16xf32>
        %parallel_loop3A_112 = arith.constant 1.000000e+00 : f32
        %parallel_loop3A_113 = vector.broadcast %parallel_loop3A_112 : f32 to vector<16xf32>
        %parallel_loop3A_114 = arith.select %parallel_loop3A_111, %parallel_loop3A_108, %parallel_loop3A_113 : vector<16xi1>, vector<16xf32>
        %parallel_loop3A_115 = arith.divf %parallel_loop3A_80, %parallel_loop3A_114 : vector<16xf32>
        %parallel_loop3A_116 = arith.constant 0.000000e+00 : f32
        %parallel_loop3A_117 = vector.broadcast %parallel_loop3A_116 : f32 to vector<16xf32>
        %parallel_loop3A_118 = arith.select %parallel_loop3A_111, %parallel_loop3A_115, %parallel_loop3A_117 : vector<16xi1>, vector<16xf32>
        %parallel_loop3A_119 = arith.index_cast %parallel_loop3A_74 : i32 to index
        %parallel_loop3A_120 = arith.constant 16 : index
        %parallel_loop3A_121 = tpu.vector_load %arg8[%parallel_loop3A_119, %parallel_loop3A_120] {strides = array<i32>} : memref<128x64xf32, #tpu.memory_space<vmem>>, vector<1x16xf32>,
        %parallel_loop3A_122 = vector.shape_cast %parallel_loop3A_121 : vector<1x16xf32> to vector<16xf32>
        %parallel_loop3A_123 = arith.mulf %parallel_loop3A_118, %parallel_loop3A_122 : vector<16xf32>
        %parallel_loop3A_124 = arith.index_cast %parallel_loop3A_74 : i32 to index
        %parallel_loop3A_125 = arith.constant 16 : index
        %parallel_loop3A_126 = tpu.vector_load %arg9[%parallel_loop3A_124, %parallel_loop3A_125] {strides = array<i32>} : memref<128x64xf32, #tpu.memory_space<vmem>>, vector<1x16xf32>,
        %parallel_loop3A_127 = vector.shape_cast %parallel_loop3A_126 : vector<1x16xf32> to vector<16xf32>
        %parallel_loop3A_128 = vector.shape_cast %parallel_loop3A_123 : vector<16xf32> to vector<1x16xf32>
        tpu.vector_store %arg9[%parallel_loop3A_124, %parallel_loop3A_125], %parallel_loop3A_128 {strides = array<i32>} : memref<128x64xf32, #tpu.memory_space<vmem>>, vector<1x16xf32>,
        %parallel_loop3A_129 = arith.index_cast %parallel_loop3A_74 : i32 to index
        %parallel_loop3A_130 = arith.constant 32 : index
        %parallel_loop3A_131 = tpu.vector_load %arg7[%parallel_loop3A_129, %parallel_loop3A_130] {strides = array<i32>} : memref<256x64xf32, #tpu.memory_space<vmem>>, vector<1x16xf32>,
        %parallel_loop3A_132 = vector.shape_cast %parallel_loop3A_131 : vector<1x16xf32> to vector<16xf32>
        %parallel_loop3A_133 = arith.constant 0.000000e+00 : f32
        %parallel_loop3A_134 = vector.broadcast %parallel_loop3A_133 : f32 to vector<16xf32>
        %parallel_loop3A_135 = arith.cmpf one, %parallel_loop3A_132, %parallel_loop3A_134 : vector<16xf32>
        %parallel_loop3A_136 = arith.constant 1.000000e+00 : f32
        %parallel_loop3A_137 = vector.broadcast %parallel_loop3A_136 : f32 to vector<16xf32>
        %parallel_loop3A_138 = arith.select %parallel_loop3A_135, %parallel_loop3A_132, %parallel_loop3A_137 : vector<16xi1>, vector<16xf32>
        %parallel_loop3A_139 = arith.divf %parallel_loop3A_80, %parallel_loop3A_138 : vector<16xf32>
        %parallel_loop3A_140 = arith.constant 0.000000e+00 : f32
        %parallel_loop3A_141 = vector.broadcast %parallel_loop3A_140 : f32 to vector<16xf32>
        %parallel_loop3A_142 = arith.select %parallel_loop3A_135, %parallel_loop3A_139, %parallel_loop3A_141 : vector<16xi1>, vector<16xf32>
        %parallel_loop3A_143 = arith.index_cast %parallel_loop3A_74 : i32 to index
        %parallel_loop3A_144 = arith.constant 32 : index
        %parallel_loop3A_145 = tpu.vector_load %arg8[%parallel_loop3A_143, %parallel_loop3A_144] {strides = array<i32>} : memref<128x64xf32, #tpu.memory_space<vmem>>, vector<1x16xf32>,
        %parallel_loop3A_146 = vector.shape_cast %parallel_loop3A_145 : vector<1x16xf32> to vector<16xf32>
        %parallel_loop3A_147 = arith.mulf %parallel_loop3A_142, %parallel_loop3A_146 : vector<16xf32>
        %parallel_loop3A_148 = arith.index_cast %parallel_loop3A_74 : i32 to index
        %parallel_loop3A_149 = arith.constant 32 : index
        %parallel_loop3A_150 = tpu.vector_load %arg9[%parallel_loop3A_148, %parallel_loop3A_149] {strides = array<i32>} : memref<128x64xf32, #tpu.memory_space<vmem>>, vector<1x16xf32>,
        %parallel_loop3A_151 = vector.shape_cast %parallel_loop3A_150 : vector<1x16xf32> to vector<16xf32>
        %parallel_loop3A_152 = vector.shape_cast %parallel_loop3A_147 : vector<16xf32> to vector<1x16xf32>
        tpu.vector_store %arg9[%parallel_loop3A_148, %parallel_loop3A_149], %parallel_loop3A_152 {strides = array<i32>} : memref<128x64xf32, #tpu.memory_space<vmem>>, vector<1x16xf32>,
        %parallel_loop3A_153 = arith.index_cast %parallel_loop3A_74 : i32 to index
        %parallel_loop3A_154 = arith.constant 48 : index
        %parallel_loop3A_155 = tpu.vector_load %arg7[%parallel_loop3A_153, %parallel_loop3A_154] {strides = array<i32>} : memref<256x64xf32, #tpu.memory_space<vmem>>, vector<1x16xf32>,
        %parallel_loop3A_156 = vector.shape_cast %parallel_loop3A_155 : vector<1x16xf32> to vector<16xf32>
        %parallel_loop3A_157 = arith.constant 0.000000e+00 : f32
        %parallel_loop3A_158 = vector.broadcast %parallel_loop3A_157 : f32 to vector<16xf32>
        %parallel_loop3A_159 = arith.cmpf one, %parallel_loop3A_156, %parallel_loop3A_158 : vector<16xf32>
        %parallel_loop3A_160 = arith.constant 1.000000e+00 : f32
        %parallel_loop3A_161 = vector.broadcast %parallel_loop3A_160 : f32 to vector<16xf32>
        %parallel_loop3A_162 = arith.select %parallel_loop3A_159, %parallel_loop3A_156, %parallel_loop3A_161 : vector<16xi1>, vector<16xf32>
        %parallel_loop3A_163 = arith.divf %parallel_loop3A_80, %parallel_loop3A_162 : vector<16xf32>
        %parallel_loop3A_164 = arith.constant 0.000000e+00 : f32
        %parallel_loop3A_165 = vector.broadcast %parallel_loop3A_164 : f32 to vector<16xf32>
        %parallel_loop3A_166 = arith.select %parallel_loop3A_159, %parallel_loop3A_163, %parallel_loop3A_165 : vector<16xi1>, vector<16xf32>
        %parallel_loop3A_167 = arith.index_cast %parallel_loop3A_74 : i32 to index
        %parallel_loop3A_168 = arith.constant 48 : index
        %parallel_loop3A_169 = tpu.vector_load %arg8[%parallel_loop3A_167, %parallel_loop3A_168] {strides = array<i32>} : memref<128x64xf32, #tpu.memory_space<vmem>>, vector<1x16xf32>,
        %parallel_loop3A_170 = vector.shape_cast %parallel_loop3A_169 : vector<1x16xf32> to vector<16xf32>
        %parallel_loop3A_171 = arith.mulf %parallel_loop3A_166, %parallel_loop3A_170 : vector<16xf32>
        %parallel_loop3A_172 = arith.index_cast %parallel_loop3A_74 : i32 to index
        %parallel_loop3A_173 = arith.constant 48 : index
        %parallel_loop3A_174 = tpu.vector_load %arg9[%parallel_loop3A_172, %parallel_loop3A_173] {strides = array<i32>} : memref<128x64xf32, #tpu.memory_space<vmem>>, vector<1x16xf32>,
        %parallel_loop3A_175 = vector.shape_cast %parallel_loop3A_174 : vector<1x16xf32> to vector<16xf32>
        %parallel_loop3A_176 = vector.shape_cast %parallel_loop3A_171 : vector<16xf32> to vector<1x16xf32>
        tpu.vector_store %arg9[%parallel_loop3A_172, %parallel_loop3A_173], %parallel_loop3A_176 {strides = array<i32>} : memref<128x64xf32, #tpu.memory_space<vmem>>, vector<1x16xf32>,
      } {sc.loop_unroll_factor = 1 : i64, sc.parallel_access}
      "tpu.region"() ({
        %run_scoped3A = tpu.sem_alloc : memref<!tpu.dma_semaphore, #tpu.memory_space<semaphore_mem>>
        %dma_start3A_74 = tpu.memref_slice %arg6[%add3A_69, %mul3A_0] : memref<10240x128xf32, #tpu.memory_space<hbm>> -> memref<128x64xf32, #tpu.memory_space<hbm>>
        %dma_start3A_75 = tpu.memref_slice %arg6[%add3A_69, %mul3A_0] : memref<10240x128xf32, #tpu.memory_space<hbm>> -> memref<128x64xf32, #tpu.memory_space<hbm>>
        tpu.enqueue_dma source(%arg9 : memref<128x64xf32, #tpu.memory_space<vmem>>) target(%dma_start3A_75 : memref<128x64xf32, #tpu.memory_space<hbm>>) target_semaphore(%run_scoped3A : memref<!tpu.dma_semaphore, #tpu.memory_space<semaphore_mem>>)
        %dma_wait3A_76 = tpu.memref_slice %arg6[%add3A_69, %mul3A_0] : memref<10240x128xf32, #tpu.memory_space<hbm>> -> memref<128x64xf32, #tpu.memory_space<hbm>>
        %dma_wait3A_77 = tpu.memref_slice %arg6[%add3A_69, %mul3A_0] : memref<10240x128xf32, #tpu.memory_space<hbm>> -> memref<128x64xf32, #tpu.memory_space<hbm>>
        tpu.wait_dma2 semaphore(%run_scoped3A : memref<!tpu.dma_semaphore, #tpu.memory_space<semaphore_mem>>) src(%arg9 : memref<128x64xf32, #tpu.memory_space<vmem>>) dst(%dma_wait3A_77 : memref<128x64xf32, #tpu.memory_space<hbm>>)
        tpu.yield
      }) : () -> ()
      %scan3A_73 = arith.constant 0 : i32
      scf.yield %scan3A_73 : i32
    }
    %scan3A_64 = arith.constant 5 : i32
    return
  }
}

module attributes {stable_mosaic.version = 14 : i64} {
  func.func @_mm_body(%arg0: i32, %arg1: memref<1000x128xf32, #tpu.memory_space<vmem>>, %arg2: memref<128x128xf32, #tpu.memory_space<vmem>>, %arg3: memref<8x128xf32, #tpu.memory_space<vmem>>, %arg4: memref<1000x128xf32, #tpu.memory_space<vmem>>) attributes {dimension_semantics = [#tpu.dimension_semantics<arbitrary>], iteration_bounds = array<i64: 10>, scalar_prefetch = 0 : i64, scratch_operands = 0 : i64, tpu.core_type = #tpu.core_type<tc>, window_params = [{transform_indices = @transform_0, window_bounds = array<i64: 1000, 128>}, {pipeline_mode = #tpu.pipeline_mode<synchronous>, transform_indices = @transform_1, window_bounds = array<i64: 128, 128>}, {pipeline_mode = #tpu.pipeline_mode<synchronous>, transform_indices = @transform_2, window_bounds = array<i64: 8, 128>}, {transform_indices = @transform_3, window_bounds = array<i64: 1000, 128>}]} {
    %get3A = arith.constant 0 : index
    %get3A_0 = arith.constant 0 : index
    %get3A_1 = vector.load %arg1[%get3A, %get3A_0] : memref<1000x128xf32, #tpu.memory_space<vmem>>, vector<1000x128xf32>
    %get3A_2 = arith.constant 0 : index
    %get3A_3 = arith.constant 0 : index
    %get3A_4 = vector.load %arg2[%get3A_2, %get3A_3] : memref<128x128xf32, #tpu.memory_space<vmem>>, vector<128x128xf32>
    %dot_general3A = arith.constant dense<0.000000e+00> : vector<1000x128xf32>
    %dot_general3A_5 = tpu.matmul %get3A_1, %get3A_4, %dot_general3A {dimension_numbers = #tpu.dot_dimension_numbers<[1], [0], [0], [1], [0, 0, 1, 1], [], []>, transpose_lhs_hint = false} : vector<1000x128xf32>, vector<128x128xf32>, vector<1000x128xf32> -> vector<1000x128xf32>
    %get3A_6 = arith.constant 0 : index
    %get3A_7 = arith.constant 0 : index
    %get3A_8 = vector.load %arg3[%get3A_6, %get3A_7] : memref<8x128xf32, #tpu.memory_space<vmem>>, vector<1x128xf32>
    %add3A = vector.broadcast %get3A_8 : vector<1x128xf32> to vector<1000x128xf32>
    %add3A_9 = arith.addf %dot_general3A_5, %add3A : vector<1000x128xf32>
    %swap3A = arith.constant 0 : index
    %swap3A_10 = arith.constant 0 : index
    %swap3A_11 = vector.load %arg4[%swap3A, %swap3A_10] : memref<1000x128xf32, #tpu.memory_space<vmem>>, vector<1000x128xf32>
    tpu.vector_store %arg4[%swap3A, %swap3A_10], %add3A_9 {strides = array<i32>} : memref<1000x128xf32, #tpu.memory_space<vmem>>, vector<1000x128xf32>,
    return
  }
  func.func @transform_0(%arg0: i32) -> (i32, i32) {
    %c0_i32 = arith.constant 0 : i32
    %c0_i32_0 = arith.constant 0 : i32
    return %arg0, %c0_i32 : i32, i32
  }
  func.func @transform_1(%arg0: i32) -> (i32, i32) {
    %c0_i32 = arith.constant 0 : i32
    %c0_i32_0 = arith.constant 0 : i32
    %c0_i32_1 = arith.constant 0 : i32
    return %c0_i32, %c0_i32_0 : i32, i32
  }
  func.func @transform_2(%arg0: i32) -> (i32, i32) {
    %c0_i32 = arith.constant 0 : i32
    %c0_i32_0 = arith.constant 0 : i32
    %c0_i32_1 = arith.constant 0 : i32
    return %c0_i32, %c0_i32_0 : i32, i32
  }
  func.func @transform_3(%arg0: i32) -> (i32, i32) {
    %c0_i32 = arith.constant 0 : i32
    %c0_i32_0 = arith.constant 0 : i32
    return %arg0, %c0_i32 : i32, i32
  }
}

</mosaic_0001>

<sc_bundles>
// kernel: kernel.4.cloned.1.call-start
scs
__scs_entry_jumppad:
0x0: {  	(pc) =	sbr.rel $0x88, $3  }
0x1: {  	(tag) =	ssettag $0x0;
	lr =	simm.s32 $0x1  }
0x2: {  	[smem:$0x3F9C] =	sst lr;
	_ =	strace $0xD0000000  }
0x3: {  	_ = 	snop  }
0x4: {  	_ = 	snop  }
0x5: {  	_ = 	snop  }
0x6: {  	_ = 	snop  }
0x7: {  	_ = 	snop  }
__scs_overlays_trampoline_lowered:
0x8: {  	[smem:$0x3FAB] =	sst s0  }
0x9: {  	[smem:$0x3FAC] =	sst s1  }
0xa: {  	[smem:$0x3FAD] =	sst s2  }
0xb: {  	[smem:$0x3FAE] =	sst s3  }
0xc: {  	[smem:$0x3FAF] =	sst s4  }
0xd: {  	[smem:$0x3FB0] =	sst s5  }
0xe: {  	[smem:$0x3FB1] =	sst s6  }
0xf: {  	[smem:$0x3FB2] =	sst s7  }
0x10: {  	[smem:$0x3FB3] =	sst s8  }
0x11: {  	[smem:$0x3FB4] =	sst s9;
	s0 =	simm.s32 @!p0 $0x0  }
0x12: {  	s1 =	sld [smem:$0x3F9A];
	s0 =	simm.s32 @p0 $0x1  }
0x13: {  	[smem:$0x3FB5] =	sst s0;
	s0 =	simm.s32 @!p1 $0x0  }
0x14: {  	s2 =	sld [smem:$0x3F99];
	s0 =	simm.s32 @p1 $0x1  }
0x15: {  	[smem:$0x3FB6] =	sst s0;
	s0 =	simm.s32 @!p2 $0x0  }
0x16: {  	s3 =	sld [smem:$0x3FDB];
	s0 =	simm.s32 @p2 $0x1  }
0x17: {  	s4 =	simm.s32 $0x1BF5;
	[smem:$0x3FB8] =	sst s0  }
0x18: {  	s0 =	sld [smem:$0x3F9B];
	_ =	swait.ge [sflag:s4], $0x0  }
0x19: {  	s7 =	sld [smem:$0x3F9C]  }
0x1a: {  	s8 =	sadd.s32 $0xFFFFE003, lr  }
0x1b: {  	s9 =	sadd.s32 $0xFFFFFEF7, lr;
	s5 =	simm.s32 $0xFFFFFFFF;
	p2 =	slt.u32 s8, $0xFFFFF086  }
0x1c: {  	p1 =	slt.u32 s9, $0xF7A;
	s5 =	simm.s32 @!p2 $0x0  }
0x1d: {  	s5 =	simm.s32 @p1 $0x1;
	p0 =	seq.s32 s7, s2  }
0x1e: {  	s7 =	smul.u32 @!p0 $0xF7A, s2;
	p2 =	seq.s32 @!p0 s5, $0x0  }
0x1f: {  	s9 =	smul.u32 $0xF7A, s1;
	s8 =	simm.s32 @!p0 $0x1BF5;
	p2 =	por !p2, p0  }
0x20: {  	[sflag:s8] =	ssyncset.s32 @!p0 $0xFFFFF086;
	s6 =	sadd.s32 @!p0 s3, s7;
	s7 =	simm.s32 @!p0 $0x108  }
0x21: {  	s3 =	sadd.s32 s3, s9;
	s6 =	sadd.s32 @!p0 $0x88, s6;
	s7 =	simm.s32 @p2 $0x1082  }
0x22: {  	[simem:s7], [sflag:s8] =	dma.local @!p0 [hbm:s6], $0xF7A  }
0x23: {  	s9 =	sor.u32 $0xD0000000, s2;
	s6 =	simm.s32 $0x108;
	_ =	swait.ge @!p0 [sflag:s8], $0x0  }
0x24: {  	s3 =	sadd.s32 $0x88, s3;
	s6 =	simm.s32 @!p1 $0x1082;
	[sflag:s4] =	ssyncset.s32 $0xFFFFF086  }
0x25: {  	[simem:s6], [sflag:s4] =	dma.local [hbm:s3], $0xF7A  }
0x26: {  	[smem:$0x3F9C] =	sst s1;
	(tag) =	ssettag s2;
	_ =	strace s9  }
0x27: {  	s1 =	sld [smem:$0x3FAC]  }
0x28: {  	s2 =	sld [smem:$0x3FAD]  }
0x29: {  	s4 =	sld [smem:$0x3FAF]  }
0x2a: {  	p0 =	seq.s32 s5, $0x0;
	s5 =	sld [smem:$0x3FB0]  }
0x2b: {  	s6 =	sld [smem:$0x3FB1]  }
0x2c: {  	s7 =	sld [smem:$0x3FB2]  }
0x2d: {  	s3 =	simm.s32 $0x108;
	s8 =	sld [smem:$0x3FB3]  }
0x2e: {  	s3 =	simm.s32 @!p0 $0x1082;
	s9 =	sld [smem:$0x3FB4]  }
0x2f: {  	lr =	sadd.s32 s0, s3;
	s0 =	sld [smem:$0x3FAB]  }
0x30: {  	s3 =	sld [smem:$0x3FAE]  }
0x31: {  	[smem:$0x3FB7] =	sst s10  }
0x32: {  	s10 =	sld [smem:$0x3FB5];
	_ =	sdelay $0x3  }
0x33: {  	p0 =	seq.s32 s10, $0x1;
	s10 =	sld [smem:$0x3FB7];
	_ =	sdelay $0x3  }
0x34: {  	[smem:$0x3FB7] =	sst s10  }
0x35: {  	s10 =	sld [smem:$0x3FB6];
	_ =	sdelay $0x3  }
0x36: {  	p1 =	seq.s32 s10, $0x1;
	s10 =	sld [smem:$0x3FB7];
	_ =	sdelay $0x3  }
0x37: {  	[smem:$0x3FB7] =	sst s10  }
0x38: {  	s10 =	sld [smem:$0x3FB8]  }
0x39: {  	_ = 	snop;
	(pc) =	sbr.ind lr, $3  }
0x3a: {  	_ = 	snop  }
0x3b: {  	_ = 	snop  }
0x3c: {  	p2 =	seq.s32 s10, $0x1;
	s10 =	sld [smem:$0x3FB7]  }
0x3d: {  	_ =	shalt  }
0x3e: {  	_ =	shalt  }
0x3f: {  	_ =	shalt  }
0x40: {  	_ =	shalt  }
0x41: {  	_ =	shalt  }
0x42: {  	_ =	shalt  }
0x43: {  	_ =	shalt  }
0x44: {  	_ =	shalt  }
0x45: {  	_ =	shalt  }
0x46: {  	_ =	shalt  }
0x47: {  	_ =	shalt  }
0x48: {  	_ =	shalt  }
0x49: {  	_ =	shalt  }
0x4a: {  	_ =	shalt  }
0x4b: {  	_ =	shalt  }
0x4c: {  	_ =	shalt  }
0x4d: {  	_ =	shalt  }
0x4e: {  	_ =	shalt  }
0x4f: {  	_ =	shalt  }
0x50: {  	_ =	shalt  }
0x51: {  	_ =	shalt  }
0x52: {  	_ =	shalt  }
0x53: {  	_ =	shalt  }
0x54: {  	_ =	shalt  }
0x55: {  	_ =	shalt  }
0x56: {  	_ =	shalt  }
0x57: {  	_ =	shalt  }
0x58: {  	_ =	shalt  }
0x59: {  	_ =	shalt  }
0x5a: {  	_ =	shalt  }
0x5b: {  	_ =	shalt  }
0x5c: {  	_ =	shalt  }
0x5d: {  	_ =	shalt  }
0x5e: {  	_ =	shalt  }
0x5f: {  	_ =	shalt  }
0x60: {  	_ =	shalt  }
0x61: {  	_ =	shalt  }
0x62: {  	_ =	shalt  }
0x63: {  	_ =	shalt  }
0x64: {  	_ =	shalt  }
0x65: {  	_ =	shalt  }
0x66: {  	_ =	shalt  }
0x67: {  	_ =	shalt  }
0x68: {  	_ =	shalt  }
0x69: {  	_ =	shalt  }
0x6a: {  	_ =	shalt  }
0x6b: {  	_ =	shalt  }
0x6c: {  	_ =	shalt  }
0x6d: {  	_ =	shalt  }
0x6e: {  	_ =	shalt  }
0x6f: {  	_ =	shalt  }
0x70: {  	_ =	shalt  }
0x71: {  	_ =	shalt  }
0x72: {  	_ =	shalt  }
0x73: {  	_ =	shalt  }
0x74: {  	_ =	shalt  }
0x75: {  	_ =	shalt  }
0x76: {  	_ =	shalt  }
0x77: {  	_ =	shalt  }
0x78: {  	_ =	shalt  }
0x79: {  	_ =	shalt  }
0x7a: {  	_ =	shalt  }
0x7b: {  	_ =	shalt  }
0x7c: {  	_ =	shalt  }
0x7d: {  	_ =	shalt  }
0x7e: {  	_ =	shalt  }
0x7f: {  	_ =	shalt  }
0x80: {  	_ =	shalt  }
0x81: {  	_ =	shalt  }
0x82: {  	_ =	shalt  }
0x83: {  	_ =	shalt  }
0x84: {  	_ =	shalt  }
0x85: {  	_ =	shalt  }
0x86: {  	_ =	shalt  }
0x87: {  	_ =	shalt  }
.Lfunc_end0:
.L_simem_size_0:
called_computation_lowered:
.L_overlay_start_0:
0x88: {  	s2 =	sld [smem:$0x3FD9]  }
0x89: {  	s3 =	sld [smem:$0x3FFE];
	_ =	sdelay $0x1  }
0x8a: {  	s1 =	srdreg.scid  }
0x8b: {  	s0 =	sand.u32 $0x1, s1  }
0x8c: {  	s17 =	sshll.u32 s0, $0xA;
	s2 =	sadd.s32 s3, s2  }
0x8d: {  	s2 =	sadd.s32 s2, s17  }
0x8e: {  	[smem:$0x3FC3] =	sst s2  }
0x8f: {  	_ = 	snop  }
0x90: {  	s2 =	sld [smem:$0x3FC7]  }
0x91: {  	s18 =	sld [smem:$0x3FD0];
	(tm) =	ssettm $0x1  }
0x92: {  	s4 =	sld [smem:$0x3FFB];
	_ =	sdelay $0x3  }
0x93: {  	_ =	strace s4  }
0x94: {  	s4 =	sld [smem:$0x3FFC];
	_ =	sdelay $0x3  }
0x95: {  	_ =	strace s4  }
0x96: {  	s4 =	sld [smem:$0x3FFD];
	_ =	sdelay $0x3  }
0x97: {  	_ =	strace s4  }
0x98: {  	_ =	strace $0x8FFFFFFF  }
0x99: {  	s19 =	sld [smem:$0x3FDB];
	_ =	sdelay $0x1  }
0x9a: {  	s5 =	simm.s32 $_scs_section_size  }
0x9b: {  	s6 =	simm.s32 $_size__tile_overlayer_lowered;
	s7 =	simm.s32 $_tile_overlayer_lowered  }
0x9c: {  	s22 =	simm.s32 $0x1BFF;
	s21 =	sshll.u32 s7, $0x1;
	s4 =	sadd.s32 s5, s19  }
0x9d: {  	s8 =	simm.s32 $0x0;
	s20 =	sshll.u32 s6, $0x1;
	s6 =	sadd.s32 s21, s4  }
0x9e: {  	[timem:s8], [sflag:s22] =	dma.local [hbm:s6], s20  }
0x9f: {  	_ =	swait.ge [sflag:s22], s20  }
0xa0: {  	s5 =	ssub.s32 $0x0, s20;
	[sflag:s22] =	ssyncset.done $0x0  }
0xa1: {  	[sflag:s22] =	ssyncadd.s32 s5;
	_ =	sdelay $0x1  }
0xa2: {  	s23 =	simm.s32 $0x1B8B  }
0xa3: {  	_ =	swait.ge [sflag:s23], $0x1  }
0xa4: {  	[sflag:s23] =	ssyncset.done $0x0  }
0xa5: {  	s25 =	simm.s32 $0x1B8E;
	s24 =	sld [smem:$0x3FFE];
	[sflag:s23] =	ssyncadd.s32 $0xFFFFFFFF  }
0xa6: {  	s26 =	simm.s32 $execute0_lowered;
	[smem:$0x3FD2] =	sst s25  }
0xa7: {  	s6 =	sshll.u32 s26, $0x1;
	_ =	strace $0x80000046;
	[dreg:$0x1] =	wrdreg $0xFFFFFFFF  }
0xa8: {  	s28 =	simm.s32 $_size_execute0_lowered;
	s4 =	sadd.s32 s4, s6;
	[dreg:$0x0] =	wrdreg $0x0  }
0xa9: {  	s6 =	sshll.u32 s28, $0x1;
	[dreg:$0x2] =	wrdreg s4  }
0xaa: {  	[dreg:$0x3] =	wrdreg s6  }
0xab: {  	[dreg:$0x4] =	wrdreg $0xC0  }
0xac: {  	_ =	task [dreg:s8], $0x5FFFF  }
0xad: {  	[dreg:$0x1] =	wrdreg $0xFFFFFFFF  }
0xae: {  	[dreg:$0x0] =	wrdreg $0x60  }
0xaf: {  	[dreg:$0x2] =	wrdreg s24  }
0xb0: {  	[dreg:$0x3] =	wrdreg s18  }
0xb1: {  	[dreg:$0x4] =	wrdreg s2  }
0xb2: {  	[dreg:$0x5] =	wrdreg $0x9CC00  }
0xb3: {  	[dreg:$0x6] =	wrdreg $0x13CC00  }
0xb4: {  	[dreg:$0x7] =	wrdreg $0x1DCC00  }
0xb5: {  	[dreg:$0x8] =	wrdreg $0x9  }
0xb6: {  	_ =	task.clear_ibuf [dreg:s8], $0x9FFFF;
	_ =	strace $0x90000046  }
0xb7: {  	s29 =	simm.s32 $0x9;
	_ =	strace $0x80000048  }
0xb8: {  	_ =	swait.ge [sflag:s29], $0x1  }
0xb9: {  	[sflag:s29] =	ssyncadd.s32 $0xFFFFFFFF  }
0xba: {  	_ =	strace $0x90000048  }
0xbb: {  	_ =	sfence  }
0xbc: {  	s30 =	sld [smem:$0x0];
	_ =	sdelay $0x2  }
0xbd: {  	s31 =	sshll.u32 s1, $0xD;
	s1 =	sshrl.u32 s1, $0x2  }
0xbe: {  	s3 =	sand.u32 $0x4000, s31;
	s1 =	sadd.s32 s1, s30  }
0xbf: {  	s0 =	sor.u32 s3, s0;
	s1 =	sshll.u32 s1, $0x11  }
0xc0: {  	s0 =	sor.u32 s1, s0  }
0xc1: {  	s0 =	sadd.s32 $0x8F2B, s0  }
0xc2: {  	[sflag:s0] =	ssyncadd.remote.s32 $0x1  }
0xc3: {  	_ =	sfence.sel $0xFFFF  }
0xc4: {  	[dreg:$0x0] =	wrdreg $0xFFFFFFFF;
	(pc) =	sbr.abs _section_cstart, $3  }
0xc5: {  	[dreg:$0x1] =	wrdreg $0xFFFFFFFF  }
0xc6: {  	_ =	task.clear_ibuf [dreg:s8], $0x2FFFF;
	_ =	strace $0x9FFFFFFF  }
0xc7: {  	(tm) =	ssettm $0x7FFFFFFF  }
tec
execute0_lowered:
.L_overlay_start_1:
0x0: {  	(tag) =	ssettag $0x1  }
0x1: {  	s0 =	rddreg [dreg:$0x0]  }
0x2: {  	s7 =	rddreg [dreg:$0x1]  }
0x3: {  	s9 =	rddreg [dreg:$0x2]  }
0x4: {  	s11 =	rddreg [dreg:$0x3]  }
0x5: {  	s4 =	rddreg [dreg:$0x4]  }
0x6: {  	s13 =	rddreg [dreg:$0x5];
	s18 =	simm.s32 $0x0;
	s14 =	stileid.u32  }
0x7: {  	s1 =	srdreg.scid;
	s31 =	simm.s32 $0x6000;
	s10 =	smul.u32 $0x4E20, s14  }
0x8: {  	s30 =	simm.s32 $0x6;
	[smem:$0x7FF] =	sst s18;
	s26 =	smul.u32 $0x271000, s14  }
0x9: {  	s1 =	sand.u32 $0x1, s1;
	s8 =	sadd.s32 $0x600, s0;
	s5 =	smul.u32 $0xA000, s14  }
0xa: {  	s15 =	sadd.s32 $0x28600, s0;
	s0 =	sadd.s32 $0x32400, s0;
	s23 =	smul.u32 $0x280, s14  }
0xb: {  	s24 =	smov.u32 s11;
	s14 =	simm.s32 $0x1;
	_ =	strace $0x80000047  }
0xc: {  	s2 =	ssub.s32 $0x2, s1;
	[dreg:$0x9] =	wrdreg s0;
	s12 =	sshll.u32 s1, $0x6  }
0xd: {  	[dreg:$0x8] =	wrdreg s15;
	s3 =	sshrl.u32 s2, $0x1;
	s28 =	sadd.s32 $0x4E00, s10  }
0xe: {  	s16 =	sadd.s32 $0x2000, s5;
	s19 =	sadd.s32 $0x4000, s5;
	s21 =	sadd.s32 $0x6000, s5  }
0xf: {  	s22 =	sadd.s32 $0x8000, s5;
	s25 =	ssub.s32 s2, s3;
	s3 =	smul.u32 $0x2800, s1  }
0x10: {  	s2 =	sor.u32 s12, s26;
	s6 =	sshll.u32 s28, $0x7;
	s17 =	sadd.s32 s16, s11  }
0x11: {  	s1 =	sshrl.u32 s28, $0x3;
	s20 =	sadd.s32 s19, s11;
	[dreg:$0x11] =	wrdreg s17  }
0x12: {  	s26 =	sadd.s32 s22, s11;
	s28 =	sadd.s32 s22, s4;
	[dreg:$0x13] =	wrdreg s20  }
0x13: {  	s2 =	sshrl.u32 s2, $0x3;
	s6 =	sor.u32 s12, s6;
	[dreg:$0x17] =	wrdreg s26  }
0x14: {  	s29 =	sadd.s32 s15, s1;
	s1 =	sadd.s32 s7, s1;
	[dreg:$0x18] =	wrdreg s28  }
0x15: {  	s0 =	smax.u32 s25, $0x1;
	s15 =	sadd.s32 s5, s4;
	[dreg:$0xb] =	wrdreg s29  }
0x16: {  	s25 =	sadd.s32 s21, s11;
	s17 =	simm.s32 $0x4000;
	[dreg:$0xc] =	wrdreg s1  }
0x17: {  	s20 =	simm.s32 $0x3;
	s2 =	sadd.s32 s9, s2;
	[dreg:$0xe] =	wrdreg s0  }
0x18: {  	s6 =	sshrl.u32 s6, $0x3;
	[dreg:$0x10] =	wrdreg s15;
	s0 =	sadd.s32 s16, s4  }
0x19: {  	[dreg:$0x15] =	wrdreg s25;
	s15 =	smov.u32 s23;
	s29 =	sadd.s32 s23, s13  }
0x1a: {  	s13 =	simm.s32 $0x80;
	s16 =	simm.s32 $0x8080;
	[dreg:$0xa] =	wrdreg s2  }
0x1b: {  	s23 =	simm.s32 $0x4;
	s25 =	simm.s32 $0x5;
	[dreg:$0x12] =	wrdreg s0  }
0x1c: {  	s1 =	simm.s32 $0x7;
	s7 =	sadd.s32 s9, s6;
	[dreg:$0x19] =	wrdreg s29  }
0x1d: {  	s9 =	sadd.s32 s5, s11;
	s0 =	sadd.s32 s19, s4;
	[dreg:$0xd] =	wrdreg s7  }
0x1e: {  	s6 =	simm.s32 $0x9;
	s2 =	simm.s32 $0x8;
	[dreg:$0xf] =	wrdreg s9  }
0x1f: {  	[dreg:$0x14] =	wrdreg s0;
	s0 =	sadd.s32 s21, s4;
	s7 =	simm.s32 $0x40  }
0x20: {  	v1 =	vimm.f32 $0.0e+00;
	v2 =	vimm.f32 $1.000000000e+00;
	v0 =	vmov s3;
	s21 =	simm.s32 $0x2;
	[dreg:$0x16] =	wrdreg s0;
	s0 =	simm.s32 $0xA  }
.LBB2_1:
0x21: {  	s5 =	simm.s32 $0x100;
	s3 =	simm.s32 $0x0  }
.LBB2_2:
0x22: {  	p0 =	sne.s32 s5, $0x7F00;
	[tilespmem:s3+$0x6030] =	vst v1;
	s9 =	smov.u32 s5;
	s5 =	sadd.s32 $0x100, s5  }
.Ltmp0:
0x23: {  	[tilespmem:s3+$0x6020] =	vst v1;
	(pc) =	sbr.rel @p0 .LBB2_2-.Ltmp0, $3  }
0x24: {  	[tilespmem:s3+$0x6000] =	vst v1  }
0x25: {  	[tilespmem:s3+$0x6010] =	vst v1;
	_ =	sdelay $0x1  }
0x26: {  	s3 =	sshra.s32 s9, $0x2  }
0x27: {  	[tilespmem:s3+$0x6030] =	vst v1  }
0x28: {  	[tilespmem:s3+$0x6020] =	vst v1  }
0x29: {  	[tilespmem:s3+$0x6000] =	vst v1  }
0x2a: {  	[tilespmem:s3+$0x6010] =	vst v1;
	s3 =	simm.s32 $0x40;
	s5 =	simm.s32 $0x0  }
.LBB2_4:
0x2b: {  	p0 =	sne.s32 s3, $0x9C0;
	[tilespmem:s5+$0x8200] =	vst v1;
	s5 =	smov.u32 s3;
	s3 =	sadd.s32 $0x40, s3  }
.Ltmp1:
0x2c: {  	(pc) =	sbr.rel @p0 .LBB2_4-.Ltmp1, $2  }
0x2d: {  	_ =	sdelay $0x2  }
0x2e: {  	s5 =	sshra.s32 s5, $0x2  }
0x2f: {  	[dreg:$0x7] =	wrdreg s18  }
0x30: {  	s3 =	simm.s32 $0x40;
	[tilespmem:s5+$0x8200] =	vst v1;
	s5 =	simm.s32 $0x0  }
.LBB2_6:
0x31: {  	p0 =	sne.s32 s3, $0x1C0;
	[tilespmem:s5+$0x8180] =	vst v2;
	s5 =	smov.u32 s3;
	s3 =	sadd.s32 $0x40, s3  }
.Ltmp2:
0x32: {  	(pc) =	sbr.rel @p0 .LBB2_6-.Ltmp2, $2  }
0x33: {  	_ =	sdelay $0x2  }
0x34: {  	s5 =	sshra.s32 s5, $0x2  }
0x35: {  	[tilespmem:s5+$0x8180] =	vst v2  }
0x36: {  	s3 =	rddreg [dreg:$0xf]  }
0x37: {  	[spmem:s3] =	stream.linear.scatter [tilespmem:s31], [sflag:$0xA], $0x2000, $0x38;
	[tilespmem:$0x1DF40] =	vst v63  }
0x38: {  	_ =	swait.ge [sflag:s0], $0x2000  }
0x39: {  	[sflag:s0] =	ssyncset.done $0x0  }
0x3a: {  	s26 =	rddreg [dreg:$0x10];
	[sflag:s0] =	ssyncadd.s32 $0xFFFFE000  }
0x3b: {  	[spmem:s26] =	stream.linear.scatter [tilespmem:s31], [sflag:$0xA], $0x2000, $0x38;
	[tilespmem:$0x1DF40] =	vst v63  }
0x3c: {  	_ =	swait.ge [sflag:s0], $0x2000  }
0x3d: {  	[sflag:s0] =	ssyncset.done $0x0  }
0x3e: {  	s28 =	rddreg [dreg:$0x11];
	[sflag:s0] =	ssyncadd.s32 $0xFFFFE000  }
0x3f: {  	[spmem:s28] =	stream.linear.scatter [tilespmem:s31], [sflag:$0xA], $0x2000, $0x38;
	[tilespmem:$0x1DF40] =	vst v63  }
0x40: {  	_ =	swait.ge [sflag:s0], $0x2000  }
0x41: {  	[sflag:s0] =	ssyncset.done $0x0  }
0x42: {  	s29 =	rddreg [dreg:$0x12];
	[sflag:s0] =	ssyncadd.s32 $0xFFFFE000  }
0x43: {  	[spmem:s29] =	stream.linear.scatter [tilespmem:s31], [sflag:$0xA], $0x2000, $0x38;
	[tilespmem:$0x1DF40] =	vst v63  }
0x44: {  	_ =	swait.ge [sflag:s0], $0x2000  }
0x45: {  	[sflag:s0] =	ssyncset.done $0x0  }
0x46: {  	s5 =	rddreg [dreg:$0x13];
	[sflag:s0] =	ssyncadd.s32 $0xFFFFE000  }
0x47: {  	[spmem:s5] =	stream.linear.scatter [tilespmem:s31], [sflag:$0xA], $0x2000, $0x38;
	[tilespmem:$0x1DF40] =	vst v63  }
0x48: {  	_ =	swait.ge [sflag:s0], $0x2000  }
0x49: {  	[sflag:s0] =	ssyncset.done $0x0  }
0x4a: {  	s9 =	rddreg [dreg:$0x14];
	[sflag:s0] =	ssyncadd.s32 $0xFFFFE000  }
0x4b: {  	[spmem:s9] =	stream.linear.scatter [tilespmem:s31], [sflag:$0xA], $0x2000, $0x38;
	[tilespmem:$0x1DF40] =	vst v63  }
0x4c: {  	_ =	swait.ge [sflag:s0], $0x2000  }
0x4d: {  	[sflag:s0] =	ssyncset.done $0x0  }
0x4e: {  	s11 =	rddreg [dreg:$0x15];
	[sflag:s0] =	ssyncadd.s32 $0xFFFFE000  }
0x4f: {  	[spmem:s11] =	stream.linear.scatter [tilespmem:s31], [sflag:$0xA], $0x2000, $0x38;
	[tilespmem:$0x1DF40] =	vst v63  }
0x50: {  	_ =	swait.ge [sflag:s0], $0x2000  }
0x51: {  	[sflag:s0] =	ssyncset.done $0x0  }
0x52: {  	s18 =	rddreg [dreg:$0x16];
	[sflag:s0] =	ssyncadd.s32 $0xFFFFE000  }
0x53: {  	[spmem:s18] =	stream.linear.scatter [tilespmem:s31], [sflag:$0xA], $0x2000, $0x38;
	[tilespmem:$0x1DF40] =	vst v63  }
0x54: {  	_ =	swait.ge [sflag:s0], $0x2000  }
0x55: {  	[sflag:s0] =	ssyncset.done $0x0  }
0x56: {  	s19 =	rddreg [dreg:$0x17];
	[sflag:s0] =	ssyncadd.s32 $0xFFFFE000  }
0x57: {  	[spmem:s19] =	stream.linear.scatter [tilespmem:s31], [sflag:$0xA], $0x2000, $0x38;
	[tilespmem:$0x1DF40] =	vst v63  }
0x58: {  	_ =	swait.ge [sflag:s0], $0x2000  }
0x59: {  	[sflag:s0] =	ssyncset.done $0x0  }
0x5a: {  	s22 =	rddreg [dreg:$0x18];
	[sflag:s0] =	ssyncadd.s32 $0xFFFFE000  }
0x5b: {  	[spmem:s22] =	stream.linear.scatter [tilespmem:s31], [sflag:$0xA], $0x2000, $0x38;
	[tilespmem:$0x1DF40] =	vst v63  }
0x5c: {  	_ =	swait.ge [sflag:s0], $0x2000  }
0x5d: {  	[sflag:s0] =	ssyncset.done $0x0  }
0x5e: {  	s28 =	simm.s32 $0x8200;
	s26 =	rddreg [dreg:$0x19];
	[sflag:s0] =	ssyncadd.s32 $0xFFFFE000  }
0x5f: {  	[spmem:s26] =	stream.linear.scatter [tilespmem:s28], [sflag:$0xA], $0x280, $0x38;
	[tilespmem:$0x1DF40] =	vst v63  }
0x60: {  	_ =	swait.ge [sflag:s0], $0x280  }
0x61: {  	[sflag:s0] =	ssyncset.done $0x0  }
0x62: {  	[sflag:s0] =	ssyncadd.s32 $0xFFFFFD80  }
0x63: {  	p0 =	por $0x0, $0x0;
	[bflag:$0x0] =	sbarrier.arrive $0xFFFF  }
0x64: {  	s5 =	simm.s32 $0x0;
	s26 =	simm.s32 $0x0;
	s29 =	rddreg [dreg:$0xa]  }
0x65: {  	[tilespmem:s5], [sflag:$0x3] =	stream.strided.gather [hbm4b:s29+s7], $0x2000, s13, s7, $0x38;
	[tilespmem:$0x1DF40] =	vst v63  }
.LBB2_8:
0x66: {  	s3 =	sshll.u32 s26, $0x7  }
0x67: {  	s9 =	sadd.s32 s10, s3  }
0x68: {  	s11 =	rddreg [dreg:$0x8];
	s9 =	sshrl.u32 s9, $0x3  }
0x69: {  	s18 =	simm.s32 $0x8000;
	s28 =	rddreg [dreg:$0x1];
	s11 =	sadd.s32 s11, s9  }
0x6a: {  	[tilespmem:s18], [sflag:$0x1] =	stream.linear.gather [hbm4b:s11+s5], $0x80, $0x38;
	[tilespmem:$0x1DF40] =	vst v63  }
0x6b: {  	s9 =	sadd.s32 s28, s9  }
0x6c: {  	[tilespmem:s16], [sflag:$0x2] =	stream.linear.gather [hbm4b:s9+s5], $0x80, $0x38;
	[tilespmem:$0x1DF40] =	vst v63  }
0x6d: {  	s9 =	simm.s32 $0x1;
	_ =	swait.ge [sflag:s14], $0x80  }
0x6e: {  	s9 =	simm.s32 @!p0 $0x0;
	[sflag:s14] =	ssyncset.done $0x0  }
0x6f: {  	s29 =	sshll.u32 s9, $0xD;
	s9 =	simm.s32 $0x0;
	[sflag:s14] =	ssyncadd.s32 $0xFFFFFF80  }
0x70: {  	s11 =	simm.s32 $0x40;
	s18 =	sor.u32 $0x10F0, s29;
	s19 =	sor.u32 $0x80, s29;
	v3 =	vld [tilespmem:s9+$0x8000]  }
.LBB2_9:
0x71: {  	p1 =	sne.s32 s11, $0x1C0  }
.Ltmp3:
0x72: {  	_ = 	snop;
	(pc) =	sbr.rel @p1 .LBB2_9-.Ltmp3, $3  }
0x73: {  	_ =	sdelay $0x1  }
0x74: {  	s22 =	sshra.s32 s11, $0x2;
	s11 =	sadd.s32 $0x40, s11;
	v4 =	vadd.s32 v0, v3  }
0x75: {  	v3 =	vld [tilespmem:s22+$0x8000];
	[tilespmem:s9+$0x8000] =	vst v4;
	s9 =	smov.u32 s22  }
0x76: {  	_ =	sdelay $0x3  }
0x77: {  	v3 =	vadd.s32 v0, v3  }
0x78: {  	s28 =	simm.s32 $0x8000;
	[tilespmem:s9+$0x8000] =	vst v3  }
0x79: {  	[tilespmem:s17], [sflag:$0x4] =	stream.indirect.gather [hbm4b:s8+s7], $0x40, s28, s7, $0xb8;
	[tilespmem:$0x1DF40] =	vst v63  }
0x7a: {  	s29 =	simm.s32 $0x8040;
	s11 =	simm.s32 $0x5000  }
0x7b: {  	[tilespmem:s11], [sflag:$0x5] =	stream.indirect.gather [hbm4b:s8+s7], $0x40, s29, s7, $0xb8;
	[tilespmem:$0x1DF40] =	vst v63  }
0x7c: {  	_ =	swait.ge [sflag:s20], $0x2000  }
0x7d: {  	[sflag:s20] =	ssyncset.done $0x0  }
0x7e: {  	[sflag:s20] =	ssyncadd.s32 $0xFFFFE000  }
0x7f: {  	v3 =	vld [tilespmem:s19+$0x70]  }
0x80: {  	v4 =	vld [tilespmem:s19+$0xFFFFFF90]  }
0x81: {  	v5 =	vld [tilespmem:s19+$0xFFFFFFA0]  }
0x82: {  	v6 =	vld [tilespmem:s19+$0xFFFFFFB0]  }
0x83: {  	v7 =	vld [tilespmem:s19+$0xFFFFFFC0]  }
0x84: {  	v8 =	vld [tilespmem:s19+$0xFFFFFFD0];
	v3 =	vadd.f32 $1.000000000e+00, v3  }
0x85: {  	v9 =	vld [tilespmem:s19+$0xFFFFFFE0];
	v4 =	vadd.f32 $1.000000000e+00, v4  }
0x86: {  	v10 =	vld [tilespmem:s19+$0xFFFFFFF0];
	v5 =	vadd.f32 $1.000000000e+00, v5;
	v3 =	vmax.f32 v3, $0.0e+00  }
0x87: {  	v11 =	vld [tilespmem:s19+$0x0];
	v6 =	vadd.f32 $1.000000000e+00, v6;
	v4 =	vmax.f32 v4, $0.0e+00;
	[tilespmem:s19+$0x70] =	vst v3  }
0x88: {  	[tilespmem:s19+$0xFFFFFF90] =	vst v4;
	v3 =	vmax.f32 v5, $0.0e+00;
	v4 =	vadd.f32 $1.000000000e+00, v7;
	v7 =	vld [tilespmem:s19+$0x10]  }
0x89: {  	v12 =	vld [tilespmem:s19+$0x20];
	v5 =	vadd.f32 $1.000000000e+00, v8;
	[tilespmem:s19+$0xFFFFFFA0] =	vst v3;
	v3 =	vmax.f32 v6, $0.0e+00  }
0x8a: {  	v6 =	vadd.f32 $1.000000000e+00, v9;
	[tilespmem:s19+$0xFFFFFFB0] =	vst v3;
	v4 =	vmax.f32 v4, $0.0e+00;
	v3 =	vld [tilespmem:s19+$0x30]  }
0x8b: {  	v8 =	vadd.f32 $1.000000000e+00, v10;
	v5 =	vmax.f32 v5, $0.0e+00;
	[tilespmem:s19+$0xFFFFFFC0] =	vst v4;
	v4 =	vld [tilespmem:s19+$0x40]  }
0x8c: {  	v9 =	vadd.f32 $1.000000000e+00, v11;
	[tilespmem:s19+$0xFFFFFFD0] =	vst v5;
	v6 =	vmax.f32 v6, $0.0e+00;
	v5 =	vld [tilespmem:s19+$0x50]  }
0x8d: {  	s22 =	sadd.s32 $0x100, s19;
	v10 =	vmax.f32 v8, $0.0e+00;
	[tilespmem:s19+$0xFFFFFFE0] =	vst v6;
	v6 =	vld [tilespmem:s19+$0x60];
	v8 =	vadd.f32 $1.000000000e+00, v7  }
0x8e: {  	s9 =	sand.u32 $0x80, s3;
	s3 =	smov.u32 s19;
	s11 =	simm.s32 $0x0;
	[tilespmem:s19+$0xFFFFFFF0] =	vst v10;
	v10 =	vmax.f32 v9, $0.0e+00;
	v9 =	vadd.f32 $1.000000000e+00, v12;
	v7 =	vld [tilespmem:s19+$0xFFFFFF80]  }
.LBB2_11:
0x8f: {  	v11 =	vld [tilespmem:s22+$0x70];
	s11 =	sadd.s32 $0x4, s11;
	[tilespmem:s3+$0x0] =	vst v10;
	v8 =	vmax.f32 v8, $0.0e+00;
	v3 =	vadd.f32 $1.000000000e+00, v3  }
0x90: {  	v10 =	vld [tilespmem:s22+$0xFFFFFF90];
	p1 =	slt.u32 s11, $0x7C;
	[tilespmem:s3+$0x10] =	vst v8;
	v8 =	vmax.f32 v9, $0.0e+00;
	v4 =	vadd.f32 $1.000000000e+00, v4  }
0x91: {  	v9 =	vld [tilespmem:s22+$0xFFFFFFA0];
	[tilespmem:s3+$0x20] =	vst v8;
	v3 =	vmax.f32 v3, $0.0e+00;
	v5 =	vadd.f32 $1.000000000e+00, v5  }
0x92: {  	v8 =	vld [tilespmem:s22+$0xFFFFFFB0];
	[tilespmem:s3+$0x30] =	vst v3;
	v3 =	vmax.f32 v4, $0.0e+00;
	v4 =	vadd.f32 $1.000000000e+00, v6  }
0x93: {  	v6 =	vld [tilespmem:s22+$0xFFFFFFC0];
	v7 =	vadd.f32 $1.000000000e+00, v7;
	[tilespmem:s3+$0x40] =	vst v3;
	v3 =	vmax.f32 v5, $0.0e+00  }
0x94: {  	v5 =	vld [tilespmem:s22+$0xFFFFFFD0];
	v11 =	vadd.f32 $1.000000000e+00, v11;
	[tilespmem:s3+$0x50] =	vst v3;
	v3 =	vmax.f32 v4, $0.0e+00  }
0x95: {  	v4 =	vadd.f32 $1.000000000e+00, v10;
	v10 =	vld [tilespmem:s22+$0xFFFFFFE0];
	v7 =	vmax.f32 v7, $0.0e+00;
	[tilespmem:s3+$0x60] =	vst v3  }
0x96: {  	v3 =	vadd.f32 $1.000000000e+00, v9;
	v9 =	vld [tilespmem:s22+$0xFFFFFFF0];
	v11 =	vmax.f32 v11, $0.0e+00;
	[tilespmem:s3+$0xFFFFFF80] =	vst v7;
	s3 =	smov.u32 s22  }
0x97: {  	v4 =	vmax.f32 v4, $0.0e+00;
	v7 =	vadd.f32 $1.000000000e+00, v8;
	v8 =	vld [tilespmem:s22+$0x0];
	[tilespmem:s22+$0x70] =	vst v11  }
0x98: {  	[tilespmem:s22+$0xFFFFFF90] =	vst v4;
	v3 =	vmax.f32 v3, $0.0e+00;
	v4 =	vadd.f32 $1.000000000e+00, v6;
	v6 =	vld [tilespmem:s22+$0x10]  }
0x99: {  	[tilespmem:s22+$0xFFFFFFA0] =	vst v3;
	v3 =	vmax.f32 v7, $0.0e+00;
	v5 =	vadd.f32 $1.000000000e+00, v5;
	v11 =	vld [tilespmem:s22+$0x20]  }
.Ltmp4:
0x9a: {  	[tilespmem:s22+$0xFFFFFFB0] =	vst v3;
	v4 =	vmax.f32 v4, $0.0e+00;
	v7 =	vadd.f32 $1.000000000e+00, v10;
	v3 =	vld [tilespmem:s22+$0x30];
	(pc) =	sbr.rel @p1 .LBB2_11-.Ltmp4, $4  }
0x9b: {  	[tilespmem:s22+$0xFFFFFFC0] =	vst v4;
	v5 =	vmax.f32 v5, $0.0e+00;
	v9 =	vadd.f32 $1.000000000e+00, v9;
	v4 =	vld [tilespmem:s22+$0x40]  }
0x9c: {  	[tilespmem:s22+$0xFFFFFFD0] =	vst v5;
	v7 =	vmax.f32 v7, $0.0e+00;
	v10 =	vadd.f32 $1.000000000e+00, v8;
	v5 =	vld [tilespmem:s22+$0x50]  }
0x9d: {  	[tilespmem:s22+$0xFFFFFFE0] =	vst v7;
	v9 =	vmax.f32 v9, $0.0e+00;
	v8 =	vadd.f32 $1.000000000e+00, v6;
	v6 =	vld [tilespmem:s22+$0x60]  }
0x9e: {  	s22 =	sadd.s32 $0x100, s22;
	v7 =	vld [tilespmem:s3+$0xFFFFFF80];
	[tilespmem:s3+$0xFFFFFFF0] =	vst v9;
	v10 =	vmax.f32 v10, $0.0e+00;
	v9 =	vadd.f32 $1.000000000e+00, v11  }
0x9f: {  	[tilespmem:s3+$0x0] =	vst v10;
	v8 =	vmax.f32 v8, $0.0e+00;
	v3 =	vadd.f32 $1.000000000e+00, v3  }
0xa0: {  	[tilespmem:s3+$0x10] =	vst v8;
	v63 =	vmax.f32 v9, $0.0e+00;
	v4 =	vadd.f32 $1.000000000e+00, v4  }
0xa1: {  	[tilespmem:s3+$0x20] =	vst v63;
	v3 =	vmax.f32 v3, $0.0e+00;
	v5 =	vadd.f32 $1.000000000e+00, v5  }
0xa2: {  	[tilespmem:s3+$0x30] =	vst v3;
	v3 =	vmax.f32 v4, $0.0e+00;
	v4 =	vadd.f32 $1.000000000e+00, v6  }
0xa3: {  	v6 =	vadd.f32 $1.000000000e+00, v7;
	[tilespmem:s3+$0x40] =	vst v3;
	v3 =	vmax.f32 v5, $0.0e+00  }
0xa4: {  	[tilespmem:s3+$0x50] =	vst v3;
	v3 =	vmax.f32 v4, $0.0e+00  }
0xa5: {  	v4 =	vmax.f32 v6, $0.0e+00;
	[tilespmem:s3+$0x60] =	vst v3  }
0xa6: {  	[tilespmem:s3+$0xFFFFFF80] =	vst v4  }
0xa7: {  	_ =	swait.ge [sflag:s21], $0x80  }
0xa8: {  	[sflag:s21] =	ssyncset.done $0x0  }
0xa9: {  	s3 =	simm.s32 $0x0;
	[sflag:s21] =	ssyncadd.s32 $0xFFFFFF80  }
0xaa: {  	v3 =	vld [tilespmem:s3+$0x80C0]  }
0xab: {  	s11 =	simm.s32 $0x40;
	v4 =	vld [tilespmem:s3+$0x8080]  }
.LBB2_13:
0xac: {  	p1 =	sne.s32 s11, $0xC0  }
.Ltmp5:
0xad: {  	_ = 	snop;
	(pc) =	sbr.rel @p1 .LBB2_13-.Ltmp5, $4  }
0xae: {  	_ = 	snop  }
0xaf: {  	s22 =	sshra.s32 s11, $0x2;
	s11 =	sadd.s32 $0x40, s11;
	[tilespmem:s3+$0x8140] =	vst v3  }
0xb0: {  	v3 =	vld [tilespmem:s22+$0x80C0];
	[tilespmem:s3+$0x8100] =	vst v4;
	s3 =	smov.u32 s22  }
0xb1: {  	v4 =	vld [tilespmem:s3+$0x8080]  }
0xb2: {  	_ =	sdelay $0x2  }
0xb3: {  	s28 =	sadd.s32 $0x1, s26;
	[tilespmem:s3+$0x8140] =	vst v3  }
0xb4: {  	s9 =	sshll.u32 s9, $0x6;
	p1 =	seq.s32 s26, $0x9B;
	[tilespmem:s3+$0x8100] =	vst v4;
	s3 =	sshll.u32 s28, $0x7  }
0xb5: {  	[spmem:s24] =	stream.indirect.scatter.add.f32 [tilespmem:s9], [sflag:$0x6], $0x40, s16, s13, $0xb8;
	[tilespmem:$0x1DF40] =	vst v63  }
0xb6: {  	s3 =	simm.s32 @p1 $0x0  }
0xb7: {  	s11 =	rddreg [dreg:$0x5];
	s22 =	simm.s32 $0x8180;
	s3 =	sadd.s32 s10, s3  }
0xb8: {  	[spmem:s11] =	stream.indirect.scatter.add.f32 [tilespmem:s22], [sflag:$0x9], $0x1, s16, s13, $0xb8;
	[tilespmem:$0x1DF40] =	vst v63  }
0xb9: {  	s3 =	sshll.u32 s3, $0x7  }
0xba: {  	s3 =	sor.u32 s12, s3  }
0xbb: {  	s26 =	sshll.u32 s28, $0xD;
	s11 =	rddreg [dreg:$0x2];
	s3 =	sshrl.u32 s3, $0x3  }
0xbc: {  	s9 =	sand.u32 $0x2000, s26;
	s3 =	sadd.s32 s11, s3  }
0xbd: {  	[tilespmem:s9], [sflag:$0x3] =	stream.strided.gather [hbm4b:s3+s7], $0x2000, s13, s7, $0x38;
	[tilespmem:$0x1DF40] =	vst v63  }
0xbe: {  	_ =	swait.ge [sflag:s23], $0x1000  }
0xbf: {  	[sflag:s23] =	ssyncset.done $0x0  }
0xc0: {  	[sflag:s23] =	ssyncadd.s32 $0xFFFFF000  }
0xc1: {  	_ =	swait.ge [sflag:s25], $0x1000  }
0xc2: {  	[sflag:s25] =	ssyncset.done $0x0  }
0xc3: {  	[sflag:s25] =	ssyncadd.s32 $0xFFFFF000  }
0xc4: {  	s26 =	simm.s32 $0x4080;
	v3 =	vld [tilespmem:s19+$0x40]  }
0xc5: {  	v4 =	vld [tilespmem:s26+$0x40]  }
0xc6: {  	v5 =	vld [tilespmem:s26+$0xFFFFFF80]  }
0xc7: {  	v6 =	vld [tilespmem:s19+$0xFFFFFFC0]  }
0xc8: {  	v7 =	vld [tilespmem:s26+$0xFFFFFFC0]  }
0xc9: {  	v8 =	vld [tilespmem:s19+$0x0]  }
0xca: {  	v9 =	vld [tilespmem:s26+$0x0];
	v3 =	vmul.f32 v4, v3  }
0xcb: {  	s22 =	simm.s32 $0x6080;
	v4 =	vld [tilespmem:s19+$0xFFFFFF80]  }
0xcc: {  	[tilespmem:s22+$0x40] =	vst v3  }
0xcd: {  	v3 =	vmul.f32 v7, v6;
	v6 =	vld [tilespmem:s19+$0x50]  }
0xce: {  	v7 =	vld [tilespmem:s26+$0x50]  }
0xcf: {  	[tilespmem:s22+$0xFFFFFFC0] =	vst v3;
	v3 =	vmul.f32 v9, v8  }
0xd0: {  	v4 =	vmul.f32 v5, v4;
	v5 =	vld [tilespmem:s19+$0xFFFFFFD0]  }
0xd1: {  	v8 =	vld [tilespmem:s26+$0xFFFFFFD0];
	[tilespmem:s22+$0x0] =	vst v3  }
0xd2: {  	[tilespmem:s22+$0xFFFFFF80] =	vst v4;
	v3 =	vld [tilespmem:s19+$0x10]  }
0xd3: {  	v4 =	vld [tilespmem:s19+$0xFFFFFF90];
	v6 =	vmul.f32 v7, v6  }
0xd4: {  	v7 =	vld [tilespmem:s26+$0xFFFFFF90]  }
0xd5: {  	v9 =	vld [tilespmem:s26+$0x10];
	[tilespmem:s22+$0x50] =	vst v6  }
0xd6: {  	v5 =	vmul.f32 v8, v5;
	v6 =	vld [tilespmem:s19+$0x60]  }
0xd7: {  	v8 =	vld [tilespmem:s26+$0x60]  }
0xd8: {  	[tilespmem:s22+$0xFFFFFFD0] =	vst v5  }
0xd9: {  	v4 =	vmul.f32 v7, v4;
	v5 =	vld [tilespmem:s19+$0xFFFFFFE0]  }
0xda: {  	v7 =	vld [tilespmem:s26+$0xFFFFFFE0]  }
0xdb: {  	v3 =	vmul.f32 v9, v3;
	[tilespmem:s22+$0xFFFFFF90] =	vst v4  }
0xdc: {  	v9 =	vld [tilespmem:s19+$0xFFFFFFA0];
	v4 =	vmul.f32 v8, v6  }
0xdd: {  	[tilespmem:s22+$0x10] =	vst v3;
	v10 =	vld [tilespmem:s26+$0xFFFFFFA0]  }
0xde: {  	v3 =	vld [tilespmem:s19+$0x20];
	[tilespmem:s22+$0x60] =	vst v4  }
0xdf: {  	v6 =	vmul.f32 v7, v5;
	v4 =	vld [tilespmem:s19+$0x70]  }
0xe0: {  	v5 =	vld [tilespmem:s26+$0x70]  }
0xe1: {  	v8 =	vld [tilespmem:s26+$0x20];
	[tilespmem:s22+$0xFFFFFFE0] =	vst v6  }
0xe2: {  	s29 =	simm.s32 $0x4080;
	v6 =	vld [tilespmem:s19+$0xFFFFFFF0];
	v9 =	vmul.f32 v10, v9  }
0xe3: {  	s11 =	simm.s32 $0x0;
	s3 =	sadd.s32 $0x100, s19;
	s9 =	simm.s32 $0x6080;
	v7 =	vld [tilespmem:s26+$0xFFFFFFF0]  }
.LBB2_15:
0xe4: {  	v10 =	vld [tilespmem:s3+$0x40];
	[tilespmem:s22+$0xFFFFFFA0] =	vst v9;
	s26 =	sadd.s32 $0x100, s26  }
0xe5: {  	v9 =	vld [tilespmem:s26+$0x40];
	v4 =	vmul.f32 v5, v4  }
0xe6: {  	v5 =	vld [tilespmem:s26+$0xFFFFFF80];
	v3 =	vmul.f32 v8, v3  }
0xe7: {  	v8 =	vld [tilespmem:s3+$0xFFFFFFC0];
	[tilespmem:s22+$0x70] =	vst v4  }
0xe8: {  	s11 =	sadd.s32 $0x4, s11;
	v4 =	vld [tilespmem:s26+$0xFFFFFFC0];
	v6 =	vmul.f32 v7, v6;
	[tilespmem:s22+$0x20] =	vst v3  }
0xe9: {  	p1 =	slt.u32 s11, $0x3C;
	v3 =	vld [tilespmem:s3+$0x0]  }
0xea: {  	v7 =	vld [tilespmem:s26+$0x0];
	v9 =	vmul.f32 v9, v10;
	[tilespmem:s22+$0xFFFFFFF0] =	vst v6  }
0xeb: {  	s22 =	sadd.s32 $0x100, s22;
	v6 =	vld [tilespmem:s3+$0xFFFFFF80]  }
0xec: {  	[tilespmem:s22+$0x40] =	vst v9;
	v9 =	vld [tilespmem:s19+$0xFFFFFFB0]  }
0xed: {  	v4 =	vmul.f32 v4, v8;
	v8 =	vld [tilespmem:s3+$0x50]  }
0xee: {  	v10 =	vld [tilespmem:s26+$0x50]  }
0xef: {  	[tilespmem:s22+$0xFFFFFFC0] =	vst v4;
	v3 =	vmul.f32 v7, v3;
	v4 =	vld [tilespmem:s29+$0xFFFFFFB0]  }
0xf0: {  	v5 =	vmul.f32 v5, v6;
	v6 =	vld [tilespmem:s3+$0xFFFFFFD0]  }
0xf1: {  	v7 =	vld [tilespmem:s26+$0xFFFFFFD0];
	[tilespmem:s22+$0x0] =	vst v3  }
0xf2: {  	[tilespmem:s22+$0xFFFFFF80] =	vst v5;
	v3 =	vld [tilespmem:s3+$0x10]  }
0xf3: {  	v5 =	vld [tilespmem:s3+$0xFFFFFF90];
	v8 =	vmul.f32 v10, v8  }
0xf4: {  	v10 =	vld [tilespmem:s26+$0xFFFFFF90];
	v4 =	vmul.f32 v4, v9  }
0xf5: {  	v9 =	vld [tilespmem:s26+$0x10];
	[tilespmem:s22+$0x50] =	vst v8  }
0xf6: {  	v6 =	vmul.f32 v7, v6;
	v7 =	vld [tilespmem:s3+$0x60];
	[tilespmem:s9+$0xFFFFFFB0] =	vst v4  }
0xf7: {  	v4 =	vld [tilespmem:s26+$0x60]  }
0xf8: {  	[tilespmem:s22+$0xFFFFFFD0] =	vst v6;
	v6 =	vld [tilespmem:s19+$0x30];
	s19 =	smov.u32 s3  }
0xf9: {  	v5 =	vmul.f32 v10, v5;
	v8 =	vld [tilespmem:s3+$0xFFFFFFE0]  }
0xfa: {  	v10 =	vld [tilespmem:s26+$0xFFFFFFE0];
	v3 =	vmul.f32 v9, v3  }
0xfb: {  	[tilespmem:s22+$0xFFFFFF90] =	vst v5;
	v9 =	vld [tilespmem:s29+$0x30];
	s29 =	smov.u32 s26  }
0xfc: {  	v11 =	vld [tilespmem:s3+$0xFFFFFFA0];
	[tilespmem:s22+$0x10] =	vst v3;
	v4 =	vmul.f32 v4, v7  }
0xfd: {  	v7 =	vld [tilespmem:s26+$0xFFFFFFA0]  }
0xfe: {  	v3 =	vld [tilespmem:s3+$0x20];
	[tilespmem:s22+$0x60] =	vst v4  }
.Ltmp6:
0xff: {  	v8 =	vmul.f32 v10, v8;
	v4 =	vld [tilespmem:s3+$0x70];
	(pc) =	sbr.rel @p1 .LBB2_15-.Ltmp6, $4  }
0x100: {  	v5 =	vld [tilespmem:s26+$0x70];
	v10 =	vmul.f32 v9, v6  }
0x101: {  	[tilespmem:s22+$0xFFFFFFE0] =	vst v8;
	v8 =	vld [tilespmem:s26+$0x20]  }
0x102: {  	v9 =	vmul.f32 v7, v11;
	v6 =	vld [tilespmem:s3+$0xFFFFFFF0];
	[tilespmem:s9+$0x30] =	vst v10;
	s9 =	smov.u32 s22  }
0x103: {  	s3 =	sadd.s32 $0x100, s3;
	v7 =	vld [tilespmem:s26+$0xFFFFFFF0]  }
0x104: {  	_ =	sdelay $0x1  }
0x105: {  	[tilespmem:s22+$0xFFFFFFA0] =	vst v9;
	v3 =	vmul.f32 v8, v3  }
0x106: {  	v8 =	vld [tilespmem:s19+$0xFFFFFFB0]  }
0x107: {  	[tilespmem:s22+$0x20] =	vst v3;
	v3 =	vld [tilespmem:s29+$0xFFFFFFB0]  }
0x108: {  	v9 =	vld [tilespmem:s19+$0x30]  }
0x109: {  	v10 =	vld [tilespmem:s29+$0x30];
	_ =	sdelay $0x1  }
0x10a: {  	v4 =	vmul.f32 v5, v4  }
0x10b: {  	v5 =	vmul.f32 v7, v6  }
0x10c: {  	[tilespmem:s22+$0x70] =	vst v4;
	v3 =	vmul.f32 v3, v8  }
0x10d: {  	[tilespmem:s22+$0xFFFFFFF0] =	vst v5;
	v4 =	vmul.f32 v10, v9  }
0x10e: {  	[tilespmem:s9+$0xFFFFFFB0] =	vst v3  }
0x10f: {  	s3 =	simm.s32 $0x8100;
	[tilespmem:s9+$0x30] =	vst v4  }
0x110: {  	[spmem:s4] =	stream.indirect.scatter.add.f32 [tilespmem:s31], [sflag:$0x7], $0x40, s3, s7, $0xb8;
	[tilespmem:$0x1DF40] =	vst v63  }
0x111: {  	s22 =	simm.s32 $0x50F0;
	v3 =	vld [tilespmem:s18+$0xFFFFFFD0]  }
0x112: {  	v4 =	vld [tilespmem:s22+$0xFFFFFFD0]  }
0x113: {  	v5 =	vld [tilespmem:s22+$0xFFFFFF10]  }
0x114: {  	v6 =	vld [tilespmem:s18+$0xFFFFFF50]  }
0x115: {  	v7 =	vld [tilespmem:s22+$0xFFFFFF50]  }
0x116: {  	v8 =	vld [tilespmem:s18+$0xFFFFFF90]  }
0x117: {  	v9 =	vld [tilespmem:s22+$0xFFFFFF90];
	v3 =	vmul.f32 v4, v3  }
0x118: {  	s19 =	simm.s32 $0x70F0;
	v4 =	vld [tilespmem:s18+$0xFFFFFF10]  }
0x119: {  	[tilespmem:s19+$0xFFFFFFD0] =	vst v3  }
0x11a: {  	v3 =	vmul.f32 v7, v6;
	v6 =	vld [tilespmem:s18+$0xFFFFFFE0]  }
0x11b: {  	v7 =	vld [tilespmem:s22+$0xFFFFFFE0]  }
0x11c: {  	[tilespmem:s19+$0xFFFFFF50] =	vst v3;
	v3 =	vmul.f32 v9, v8  }
0x11d: {  	v4 =	vmul.f32 v5, v4;
	v5 =	vld [tilespmem:s18+$0xFFFFFF60]  }
0x11e: {  	v8 =	vld [tilespmem:s22+$0xFFFFFF60];
	[tilespmem:s19+$0xFFFFFF90] =	vst v3  }
0x11f: {  	[tilespmem:s19+$0xFFFFFF10] =	vst v4;
	v3 =	vld [tilespmem:s18+$0xFFFFFFA0]  }
0x120: {  	v4 =	vld [tilespmem:s18+$0xFFFFFF20];
	v6 =	vmul.f32 v7, v6  }
0x121: {  	v7 =	vld [tilespmem:s22+$0xFFFFFF20]  }
0x122: {  	v9 =	vld [tilespmem:s22+$0xFFFFFFA0];
	[tilespmem:s19+$0xFFFFFFE0] =	vst v6  }
0x123: {  	v5 =	vmul.f32 v8, v5;
	v6 =	vld [tilespmem:s18+$0xFFFFFFF0]  }
0x124: {  	v8 =	vld [tilespmem:s22+$0xFFFFFFF0]  }
0x125: {  	[tilespmem:s19+$0xFFFFFF60] =	vst v5  }
0x126: {  	v4 =	vmul.f32 v7, v4;
	v5 =	vld [tilespmem:s18+$0xFFFFFF70]  }
0x127: {  	v7 =	vld [tilespmem:s22+$0xFFFFFF70]  }
0x128: {  	v3 =	vmul.f32 v9, v3;
	[tilespmem:s19+$0xFFFFFF20] =	vst v4  }
0x129: {  	v9 =	vld [tilespmem:s18+$0xFFFFFF30];
	v4 =	vmul.f32 v8, v6  }
0x12a: {  	[tilespmem:s19+$0xFFFFFFA0] =	vst v3;
	v10 =	vld [tilespmem:s22+$0xFFFFFF30]  }
0x12b: {  	v3 =	vld [tilespmem:s18+$0xFFFFFFB0];
	[tilespmem:s19+$0xFFFFFFF0] =	vst v4  }
0x12c: {  	v6 =	vmul.f32 v7, v5;
	v4 =	vld [tilespmem:s18+$0x0]  }
0x12d: {  	v5 =	vld [tilespmem:s22+$0x0]  }
0x12e: {  	v8 =	vld [tilespmem:s22+$0xFFFFFFB0];
	[tilespmem:s19+$0xFFFFFF70] =	vst v6  }
0x12f: {  	s11 =	simm.s32 $0x40;
	v6 =	vld [tilespmem:s18+$0xFFFFFF80];
	v9 =	vmul.f32 v10, v9  }
0x130: {  	s26 =	simm.s32 $0x50F0;
	s9 =	simm.s32 $0x70F0;
	s3 =	sadd.s32 $0x100, s18;
	v7 =	vld [tilespmem:s22+$0xFFFFFF80]  }
.LBB2_17:
0x131: {  	v10 =	vld [tilespmem:s3+$0xFFFFFFD0];
	[tilespmem:s19+$0xFFFFFF30] =	vst v9;
	s22 =	sadd.s32 $0x100, s22  }
0x132: {  	v9 =	vld [tilespmem:s22+$0xFFFFFFD0];
	v4 =	vmul.f32 v5, v4  }
0x133: {  	v5 =	vld [tilespmem:s22+$0xFFFFFF10];
	v3 =	vmul.f32 v8, v3  }
0x134: {  	v8 =	vld [tilespmem:s3+$0xFFFFFF50];
	[tilespmem:s19+$0x0] =	vst v4  }
0x135: {  	s11 =	sadd.s32 $0x4, s11;
	v4 =	vld [tilespmem:s22+$0xFFFFFF50];
	v6 =	vmul.f32 v7, v6;
	[tilespmem:s19+$0xFFFFFFB0] =	vst v3  }
0x136: {  	p1 =	slt.u32 s11, $0x7C;
	v3 =	vld [tilespmem:s3+$0xFFFFFF90]  }
0x137: {  	v7 =	vld [tilespmem:s22+$0xFFFFFF90];
	v9 =	vmul.f32 v9, v10;
	[tilespmem:s19+$0xFFFFFF80] =	vst v6  }
0x138: {  	s19 =	sadd.s32 $0x100, s19;
	v6 =	vld [tilespmem:s3+$0xFFFFFF10]  }
0x139: {  	[tilespmem:s19+$0xFFFFFFD0] =	vst v9;
	v9 =	vld [tilespmem:s18+$0xFFFFFF40]  }
0x13a: {  	v4 =	vmul.f32 v4, v8;
	v8 =	vld [tilespmem:s3+$0xFFFFFFE0]  }
0x13b: {  	v10 =	vld [tilespmem:s22+$0xFFFFFFE0]  }
0x13c: {  	[tilespmem:s19+$0xFFFFFF50] =	vst v4;
	v3 =	vmul.f32 v7, v3;
	v4 =	vld [tilespmem:s26+$0xFFFFFF40]  }
0x13d: {  	v5 =	vmul.f32 v5, v6;
	v6 =	vld [tilespmem:s3+$0xFFFFFF60]  }
0x13e: {  	v7 =	vld [tilespmem:s22+$0xFFFFFF60];
	[tilespmem:s19+$0xFFFFFF90] =	vst v3  }
0x13f: {  	[tilespmem:s19+$0xFFFFFF10] =	vst v5;
	v3 =	vld [tilespmem:s3+$0xFFFFFFA0]  }
0x140: {  	v5 =	vld [tilespmem:s3+$0xFFFFFF20];
	v8 =	vmul.f32 v10, v8  }
0x141: {  	v10 =	vld [tilespmem:s22+$0xFFFFFF20];
	v4 =	vmul.f32 v4, v9  }
0x142: {  	v9 =	vld [tilespmem:s22+$0xFFFFFFA0];
	[tilespmem:s19+$0xFFFFFFE0] =	vst v8  }
0x143: {  	v6 =	vmul.f32 v7, v6;
	v7 =	vld [tilespmem:s3+$0xFFFFFFF0];
	[tilespmem:s9+$0xFFFFFF40] =	vst v4  }
0x144: {  	v4 =	vld [tilespmem:s22+$0xFFFFFFF0]  }
0x145: {  	[tilespmem:s19+$0xFFFFFF60] =	vst v6;
	v6 =	vld [tilespmem:s18+$0xFFFFFFC0];
	s18 =	smov.u32 s3  }
0x146: {  	v5 =	vmul.f32 v10, v5;
	v8 =	vld [tilespmem:s3+$0xFFFFFF70]  }
0x147: {  	v10 =	vld [tilespmem:s22+$0xFFFFFF70];
	v3 =	vmul.f32 v9, v3  }
0x148: {  	[tilespmem:s19+$0xFFFFFF20] =	vst v5;
	v9 =	vld [tilespmem:s26+$0xFFFFFFC0];
	s26 =	smov.u32 s22  }
0x149: {  	v11 =	vld [tilespmem:s3+$0xFFFFFF30];
	[tilespmem:s19+$0xFFFFFFA0] =	vst v3;
	v4 =	vmul.f32 v4, v7  }
0x14a: {  	v7 =	vld [tilespmem:s22+$0xFFFFFF30]  }
0x14b: {  	v3 =	vld [tilespmem:s3+$0xFFFFFFB0];
	[tilespmem:s19+$0xFFFFFFF0] =	vst v4  }
.Ltmp7:
0x14c: {  	v8 =	vmul.f32 v10, v8;
	v4 =	vld [tilespmem:s3+$0x0];
	(pc) =	sbr.rel @p1 .LBB2_17-.Ltmp7, $4  }
0x14d: {  	v5 =	vld [tilespmem:s22+$0x0];
	v10 =	vmul.f32 v9, v6  }
0x14e: {  	[tilespmem:s19+$0xFFFFFF70] =	vst v8;
	v8 =	vld [tilespmem:s22+$0xFFFFFFB0]  }
0x14f: {  	v9 =	vmul.f32 v7, v11;
	v6 =	vld [tilespmem:s3+$0xFFFFFF80];
	[tilespmem:s9+$0xFFFFFFC0] =	vst v10;
	s9 =	smov.u32 s19  }
0x150: {  	s3 =	sadd.s32 $0x100, s3;
	v7 =	vld [tilespmem:s22+$0xFFFFFF80]  }
0x151: {  	_ =	sdelay $0x1  }
0x152: {  	[tilespmem:s19+$0xFFFFFF30] =	vst v9;
	v3 =	vmul.f32 v8, v3  }
0x153: {  	v60 =	vld [tilespmem:s18+$0xFFFFFF40]  }
0x154: {  	[tilespmem:s19+$0xFFFFFFB0] =	vst v3;
	v3 =	vld [tilespmem:s26+$0xFFFFFF40]  }
0x155: {  	v61 =	vld [tilespmem:s18+$0xFFFFFFC0]  }
0x156: {  	v10 =	vld [tilespmem:s26+$0xFFFFFFC0];
	_ =	sdelay $0x1  }
0x157: {  	v4 =	vmul.f32 v5, v4  }
0x158: {  	v62 =	vmul.f32 v7, v6  }
0x159: {  	[tilespmem:s19+$0x0] =	vst v4;
	v3 =	vmul.f32 v3, v60  }
0x15a: {  	[tilespmem:s19+$0xFFFFFF80] =	vst v62;
	v63 =	vmul.f32 v10, v61  }
0x15b: {  	[tilespmem:s9+$0xFFFFFF40] =	vst v3  }
0x15c: {  	s3 =	simm.s32 $0x8140;
	s29 =	simm.s32 $0x7000;
	[tilespmem:s9+$0xFFFFFFC0] =	vst v63  }
0x15d: {  	[spmem:s4] =	stream.indirect.scatter.add.f32 [tilespmem:s29], [sflag:$0x8], $0x40, s3, s7, $0xb8;
	[tilespmem:$0x1DF40] =	vst v63  }
0x15e: {  	_ =	swait.ge [sflag:s30], $0x2000  }
0x15f: {  	[sflag:s30] =	ssyncset.done $0x0  }
0x160: {  	[sflag:s30] =	ssyncadd.s32 $0xFFFFE000  }
0x161: {  	_ =	swait.ge [sflag:s6], $0x80  }
0x162: {  	[sflag:s6] =	ssyncset.done $0x0  }
0x163: {  	[sflag:s6] =	ssyncadd.s32 $0xFFFFFF80  }
0x164: {  	p1 =	sne.s32 s28, $0x9C;
	_ =	swait.ge [sflag:s1], $0x1000  }
.Ltmp8:
0x165: {  	[sflag:s1] =	ssyncset.done $0x0;
	(pc) =	sbr.rel @p1 .LBB2_8-.Ltmp8, $4  }
0x166: {  	[sflag:s1] =	ssyncadd.s32 $0xFFFFF000  }
0x167: {  	_ =	swait.ge [sflag:s2], $0x1000  }
0x168: {  	[sflag:s2] =	ssyncset.done $0x0  }
0x169: {  	p0 =	por !p0, !p0;
	s26 =	smov.u32 s28;
	[sflag:s2] =	ssyncadd.s32 $0xFFFFF000  }
0x16a: {  	_ =	swait.ge [sflag:s20], $0x2000  }
0x16b: {  	s3 =	simm.s32 $0x0;
	[sflag:s20] =	ssyncset.done $0x0  }
0x16c: {  	s9 =	simm.s32 $0x9C80;
	s5 =	rddreg [dreg:$0xb];
	[sflag:s20] =	ssyncadd.s32 $0xFFFFE000  }
0x16d: {  	[tilespmem:s9], [sflag:$0xA] =	stream.linear.gather [hbm4b:s5+s3], $0x20, $0x38;
	[tilespmem:$0x1DF40] =	vst v63  }
0x16e: {  	_ =	swait.ge [sflag:s0], $0x20  }
0x16f: {  	[sflag:s0] =	ssyncset.done $0x0  }
0x170: {  	s11 =	simm.s32 $0x9CA0;
	s19 =	rddreg [dreg:$0xc];
	[sflag:s0] =	ssyncadd.s32 $0xFFFFFFE0  }
0x171: {  	[tilespmem:s11], [sflag:$0xA] =	stream.linear.gather [hbm4b:s19+s3], $0x20, $0x38;
	[tilespmem:$0x1DF40] =	vst v63  }
0x172: {  	_ =	swait.ge [sflag:s0], $0x20  }
0x173: {  	[sflag:s0] =	ssyncset.done $0x0  }
0x174: {  	s26 =	simm.s32 $0x8480;
	s22 =	rddreg [dreg:$0xd];
	[sflag:s0] =	ssyncadd.s32 $0xFFFFFFE0  }
0x175: {  	[tilespmem:s26], [sflag:$0xA] =	stream.strided.gather [hbm4b:s22+s7], $0x800, s13, s7, $0x38;
	[tilespmem:$0x1DF40] =	vst v63  }
0x176: {  	_ =	swait.ge [sflag:s0], $0x800  }
0x177: {  	[sflag:s0] =	ssyncset.done $0x0  }
0x178: {  	[sflag:s0] =	ssyncadd.s32 $0xFFFFF800  }
0x179: {  	v3 =	vld [tilespmem:$0x9C80]  }
0x17a: {  	v4 =	vld [tilespmem:$0x9C90];
	_ =	sdelay $0x3  }
0x17b: {  	v3 =	vadd.s32 v0, v3  }
0x17c: {  	[tilespmem:$0x9C80] =	vst v3;
	v3 =	vadd.s32 v0, v4  }
0x17d: {  	s28 =	simm.s32 $0x20;
	s29 =	simm.s32 $0x8C80;
	[tilespmem:$0x9C90] =	vst v3  }
0x17e: {  	[tilespmem:s29], [sflag:$0x4] =	stream.indirect.gather [hbm4b:s8+s28], $0x40, s9, s28, $0xb8;
	[tilespmem:$0x1DF40] =	vst v63  }
0x17f: {  	_ =	swait.ge [sflag:s23], $0x800  }
0x180: {  	[sflag:s23] =	ssyncset.done $0x0  }
0x181: {  	s5 =	simm.s32 $0x0;
	[sflag:s23] =	ssyncadd.s32 $0xFFFFF800  }
0x182: {  	v3 =	vld [tilespmem:s5+$0x84B0]  }
0x183: {  	v4 =	vld [tilespmem:s5+$0x8480]  }
0x184: {  	v8 =	vld [tilespmem:s5+$0x8490]  }
0x185: {  	v7 =	vld [tilespmem:s5+$0x8CB0]  }
0x186: {  	v6 =	vld [tilespmem:s5+$0x84A0]  }
0x187: {  	v5 =	vld [tilespmem:s5+$0x8C80];
	v10 =	vadd.f32 $1.000000000e+00, v3  }
0x188: {  	v3 =	vld [tilespmem:s5+$0x8C90];
	v9 =	vadd.f32 $1.000000000e+00, v4  }
0x189: {  	s3 =	simm.s32 $0x40;
	s9 =	simm.s32 $0x200;
	v8 =	vadd.f32 $1.000000000e+00, v8;
	v4 =	vld [tilespmem:s5+$0x8CA0];
	v10 =	vmax.f32 v10, $0.0e+00  }
.LBB2_20:
0x18a: {  	p0 =	sne.s32 s9, $0x1F00;
	v11 =	vld [tilespmem:s3+$0x84B0];
	v9 =	vmax.f32 v9, $0.0e+00;
	[tilespmem:s5+$0x84B0] =	vst v10;
	v7 =	vmul.f32 v7, v10  }
0x18b: {  	v10 =	vld [tilespmem:s3+$0x8480];
	[tilespmem:s5+$0x8480] =	vst v9;
	v8 =	vmax.f32 v8, $0.0e+00;
	v6 =	vadd.f32 $1.000000000e+00, v6  }
0x18c: {  	v12 =	vld [tilespmem:s3+$0x8490];
	v5 =	vmul.f32 v5, v9;
	[tilespmem:s5+$0x94B0] =	vst v7  }
.Ltmp9:
0x18d: {  	v7 =	vld [tilespmem:s3+$0x8CB0];
	[tilespmem:s5+$0x8490] =	vst v8;
	v3 =	vmul.f32 v3, v8;
	v13 =	vmax.f32 v6, $0.0e+00;
	(pc) =	sbr.rel @p0 .LBB2_20-.Ltmp9, $4  }
0x18e: {  	v6 =	vld [tilespmem:s3+$0x84A0];
	[tilespmem:s5+$0x9480] =	vst v5;
	v4 =	vmul.f32 v4, v13  }
0x18f: {  	v5 =	vld [tilespmem:s3+$0x8C80];
	v11 =	vadd.f32 $1.000000000e+00, v11;
	[tilespmem:s5+$0x9490] =	vst v3  }
0x190: {  	v9 =	vadd.f32 $1.000000000e+00, v10;
	v3 =	vld [tilespmem:s3+$0x8C90];
	[tilespmem:s5+$0x94A0] =	vst v4  }
0x191: {  	v8 =	vadd.f32 $1.000000000e+00, v12;
	v4 =	vld [tilespmem:s3+$0x8CA0];
	v10 =	vmax.f32 v11, $0.0e+00;
	[tilespmem:s5+$0x84A0] =	vst v13;
	s5 =	smov.u32 s3;
	s3 =	sshra.s32 s9, $0x2;
	s9 =	sadd.s32 $0x100, s9  }
0x192: {  	v11 =	vld [tilespmem:s3+$0x84B0];
	v9 =	vmax.f32 v9, $0.0e+00;
	[tilespmem:s5+$0x84B0] =	vst v10;
	v7 =	vmul.f32 v7, v10  }
0x193: {  	v54 =	vld [tilespmem:s3+$0x8480];
	[tilespmem:s5+$0x8480] =	vst v9  }
0x194: {  	v12 =	vld [tilespmem:s3+$0x8490];
	v6 =	vadd.f32 $1.000000000e+00, v6;
	v8 =	vmax.f32 v8, $0.0e+00;
	v5 =	vmul.f32 v5, v9;
	[tilespmem:s5+$0x94B0] =	vst v7  }
0x195: {  	v56 =	vld [tilespmem:s3+$0x84A0];
	[tilespmem:s5+$0x8490] =	vst v8  }
0x196: {  	v3 =	vmul.f32 v3, v8;
	v6 =	vmax.f32 v6, $0.0e+00;
	[tilespmem:s5+$0x9480] =	vst v5  }
0x197: {  	v55 =	vld [tilespmem:s3+$0x8CB0];
	v4 =	vmul.f32 v4, v6;
	[tilespmem:s5+$0x84A0] =	vst v6;
	v58 =	vadd.f32 $1.000000000e+00, v11  }
0x198: {  	v57 =	vld [tilespmem:s3+$0x8C80];
	[tilespmem:s5+$0x9490] =	vst v3;
	v3 =	vadd.f32 $1.000000000e+00, v54  }
0x199: {  	v59 =	vld [tilespmem:s3+$0x8C90];
	v61 =	vadd.f32 $1.000000000e+00, v12;
	[tilespmem:s5+$0x94A0] =	vst v4;
	v9 =	vmax.f32 v58, $0.0e+00  }
0x19a: {  	v60 =	vld [tilespmem:s3+$0x8CA0];
	v8 =	vadd.f32 $1.000000000e+00, v56;
	v3 =	vmax.f32 v3, $0.0e+00;
	[tilespmem:s3+$0x84B0] =	vst v9  }
0x19b: {  	v6 =	vmax.f32 v61, $0.0e+00;
	[tilespmem:s3+$0x8480] =	vst v3  }
0x19c: {  	v63 =	vmax.f32 v8, $0.0e+00;
	v7 =	vmul.f32 v55, v9;
	[tilespmem:s3+$0x8490] =	vst v6  }
0x19d: {  	v3 =	vmul.f32 v57, v3;
	[tilespmem:s3+$0x84A0] =	vst v63  }
0x19e: {  	v62 =	vmul.f32 v59, v6;
	[tilespmem:s3+$0x94B0] =	vst v7  }
0x19f: {  	[tilespmem:s3+$0x9480] =	vst v3;
	v3 =	vmul.f32 v60, v63  }
0x1a0: {  	[tilespmem:s3+$0x9490] =	vst v62  }
0x1a1: {  	s9 =	simm.s32 $0x9CA0;
	s19 =	simm.s32 $0x8480;
	s11 =	simm.s32 $0x20;
	[tilespmem:s3+$0x94A0] =	vst v3  }
0x1a2: {  	[spmem:s24] =	stream.indirect.scatter.add.f32 [tilespmem:s19], [sflag:$0xA], $0x40, s9, s11, $0xb8;
	[tilespmem:$0x1DF40] =	vst v63  }
0x1a3: {  	_ =	swait.ge [sflag:s0], $0x800  }
0x1a4: {  	[sflag:s0] =	ssyncset.done $0x0  }
0x1a5: {  	s22 =	simm.s32 $0x9480;
	[sflag:s0] =	ssyncadd.s32 $0xFFFFF800  }
0x1a6: {  	[spmem:s4] =	stream.indirect.scatter.add.f32 [tilespmem:s22], [sflag:$0xA], $0x40, s9, s11, $0xb8;
	[tilespmem:$0x1DF40] =	vst v63  }
0x1a7: {  	_ =	swait.ge [sflag:s0], $0x800  }
0x1a8: {  	[sflag:s0] =	ssyncset.done $0x0  }
0x1a9: {  	[sflag:s0] =	ssyncadd.s32 $0xFFFFF800  }
0x1aa: {  	s28 =	simm.s32 $0x8180;
	s26 =	rddreg [dreg:$0x5]  }
0x1ab: {  	[spmem:s26] =	stream.indirect.scatter.add.f32 [tilespmem:s28], [sflag:$0xA], $0x1, s9, s11, $0xb8;
	[tilespmem:$0x1DF40] =	vst v63  }
0x1ac: {  	_ =	swait.ge [sflag:s0], $0x20  }
0x1ad: {  	[sflag:s0] =	ssyncset.done $0x0  }
0x1ae: {  	[sflag:s0] =	ssyncadd.s32 $0xFFFFFFE0  }
0x1af: {  	[bflag:$0x0] =	sbarrier.arrive $0xFFFF  }
0x1b0: {  	s5 =	simm.s32 $0x0;
	s29 =	rddreg [dreg:$0x19]  }
0x1b1: {  	[smem:s5], [sflag:$0xA] =	stream.linear.gather [spmem:s29], $0x280, $0x38;
	[tilespmem:$0x1DF40] =	vst v63  }
0x1b2: {  	_ =	swait.ge [sflag:s0], $0x280  }
0x1b3: {  	[sflag:s0] =	ssyncset.done $0x0  }
0x1b4: {  	s18 =	simm.s32 $0x0;
	s19 =	simm.s32 $0x0;
	[sflag:s0] =	ssyncadd.s32 $0xFFFFFD80  }
.LBB2_22:
0x1b5: {  	s3 =	sshll.u32 s19, $0x7  }
0x1b6: {  	s26 =	sadd.s32 s15, s3  }
0x1b7: {  	s3 =	sshll.u32 s26, $0x6  }
0x1b8: {  	s9 =	sadd.s32 s3, s24  }
0x1b9: {  	[tilespmem:s5], [sflag:$0xA] =	stream.linear.gather [spmem:s9], $0x2000, $0x38;
	[tilespmem:$0x1DF40] =	vst v63  }
0x1ba: {  	_ =	swait.ge [sflag:s0], $0x2000  }
0x1bb: {  	[sflag:s0] =	ssyncset.done $0x0  }
0x1bc: {  	s3 =	sadd.s32 s3, s4;
	[sflag:s0] =	ssyncadd.s32 $0xFFFFE000  }
0x1bd: {  	[tilespmem:s17], [sflag:$0xA] =	stream.linear.gather [spmem:s3], $0x2000, $0x38;
	[tilespmem:$0x1DF40] =	vst v63  }
0x1be: {  	_ =	swait.ge [sflag:s0], $0x2000  }
0x1bf: {  	[sflag:s0] =	ssyncset.done $0x0  }
0x1c0: {  	s29 =	simm.s32 $0x0;
	[sflag:s0] =	ssyncadd.s32 $0xFFFFE000  }
0x1c1: {  	v3 =	vld [tilespmem:s29+$0x30];
	_ =	sdelay $0x2  }
0x1c2: {  	v4 =	vld [tilespmem:s29+$0x0]  }
0x1c3: {  	v5 =	vld [tilespmem:s29+$0x10]  }
0x1c4: {  	v6 =	vld [tilespmem:s29+$0x20];
	vm0 =	vlt.f32 v3, $0.0e+00;
	vm1 =	vgt.f32 v3, $0.0e+00  }
0x1c5: {  	vm0 =	vmor vm1, vm0  }
0x1c6: {  	v3 =	vnsel vm0, $0x3F800000, v3  }
0x1c7: {  	(erf) = vrcp.f32 v3  }
0x1c8: {  	vm2 =	vgt.f32 v4, $0.0e+00;
	vm3 =	vlt.f32 v5, $0.0e+00;
	vm1 =	vlt.f32 v4, $0.0e+00  }
0x1c9: {  	vm4 =	vgt.f32 v5, $0.0e+00;
	vm5 =	vlt.f32 v6, $0.0e+00;
	vm1 =	vmor vm2, vm1  }
0x1ca: {  	s28 =	simm.s32 $0x40;
	vm3 =	vmor vm4, vm3;
	vm2 =	vgt.f32 v6, $0.0e+00;
	v3 =	vnsel vm1, $0x3F800000, v4  }
0x1cb: {  	vm2 =	vmor vm2, vm5;
	v4 =	vnsel vm3, $0x3F800000, v5;
	v5 =	vld [tilespmem:s28+$0x30];
	(erf) = vrcp.f32 v3  }
0x1cc: {  	v10 =	vld [tilespmem:s28+$0x0];
	v3 =	vnsel vm2, $0x3F800000, v6;
	(erf) = vrcp.f32 v4  }
0x1cd: {  	v12 =	vld [tilespmem:s28+$0x10];
	(erf) = vrcp.f32 v3  }
0x1ce: {  	v15 =	vld [tilespmem:s28+$0x20];
	s9 =	sld [smem:s18+$0x0]  }
0x1cf: {  	vm5 =	vmmov vm0;
	vm0 =	vmmov vm2;
	vm2 =	vmmov vm1;
	v3 =	vld [tilespmem:s29+$0x4030]  }
0x1d0: {  	vm1 =	vmmov vm3;
	vm3 =	vlt.f32 v5, $0.0e+00;
	vm4 =	vgt.f32 v5, $0.0e+00;
	v4 =	vpop (erf)  }
0x1d1: {  	v7 =	vld [tilespmem:s29+$0x4000];
	vm6 =	vlt.f32 v10, $0.0e+00;
	vm4 =	vmor vm4, vm3;
	v4 =	vmul.f32 s9, v4  }
0x1d2: {  	v8 =	vld [tilespmem:s29+$0x4020];
	vm7 =	vlt.f32 v12, $0.0e+00;
	vm8 =	vgt.f32 v12, $0.0e+00;
	v5 =	vnsel vm4, $0x3F800000, v5  }
0x1d3: {  	vm9 =	vlt.f32 v15, $0.0e+00;
	v6 =	vld [tilespmem:s29+$0x4010];
	(erf) = vrcp.f32 v5;
	v5 =	vnsel vm5, $0x0, v4  }
0x1d4: {  	vm10 =	vgt.f32 v15, $0.0e+00;
	vm3 =	vgt.f32 v10, $0.0e+00;
	v11 =	vpop (erf);
	v4 =	vld [tilespmem:s28+$0x4000];
	v16 =	vmul.f32 v5, v3  }
0x1d5: {  	v9 =	vpop (erf);
	vm5 =	vmor vm3, vm6;
	vm3 =	vmor vm8, vm7;
	vm6 =	vmor vm10, vm9;
	v5 =	vld [tilespmem:s28+$0x4010]  }
0x1d6: {  	s22 =	simm.s32 $0x80;
	s11 =	simm.s32 $0x300;
	s3 =	smov.u32 s18;
	v3 =	vld [tilespmem:s28+$0x4020];
	v14 =	vnsel vm5, $0x3F800000, v10;
	v13 =	vnsel vm3, $0x3F800000, v12;
	v12 =	vnsel vm6, $0x3F800000, v15;
	v10 =	vpop (erf);
	[tilespmem:s29+$0x6030] =	vst v16  }
.LBB2_23:
0x1d7: {  	(erf) = vrcp.f32 v14;
	v11 =	vmul.f32 s9, v11  }
0x1d8: {  	p0 =	sne.s32 s11, $0x7F00;
	v15 =	vld [tilespmem:s22+$0x30];
	vm7 =	vmmov vm4;
	vm4 =	vmmov vm0;
	vm0 =	vmmov vm6  }
0x1d9: {  	v9 =	vmul.f32 s9, v9;
	v14 =	vld [tilespmem:s22+$0x0];
	(erf) = vrcp.f32 v13  }
0x1da: {  	v10 =	vmul.f32 s9, v10;
	s3 =	sadd.s32 $0x1, s3;
	v13 =	vld [tilespmem:s22+$0x10];
	(erf) = vrcp.f32 v12;
	v11 =	vnsel vm2, $0x0, v11  }
0x1db: {  	v9 =	vnsel vm1, $0x0, v9;
	vm2 =	vmmov vm5;
	v12 =	vld [tilespmem:s22+$0x20];
	s9 =	sld [smem:s3+$0x0];
	v11 =	vmul.f32 v11, v7;
	v7 =	vmovc v4  }
0x1dc: {  	v10 =	vnsel vm4, $0x0, v10;
	vm1 =	vmmov vm3;
	v9 =	vmul.f32 v9, v6;
	v6 =	vmovc v5;
	v16 =	vld [tilespmem:s28+$0x4030]  }
0x1dd: {  	v10 =	vmul.f32 v10, v8;
	v4 =	vld [tilespmem:s22+$0x4000];
	vm3 =	vlt.f32 v15, $0.0e+00;
	vm4 =	vgt.f32 v15, $0.0e+00;
	v17 =	vpop (erf);
	[tilespmem:s29+$0x6000] =	vst v11  }
0x1de: {  	v8 =	vmovc v3;
	vm5 =	vlt.f32 v14, $0.0e+00;
	v5 =	vld [tilespmem:s22+$0x4010];
	vm4 =	vmor vm4, vm3;
	v17 =	vmul.f32 s9, v17;
	[tilespmem:s29+$0x6010] =	vst v9  }
.Ltmp10:
0x1df: {  	vm3 =	vgt.f32 v14, $0.0e+00;
	vm6 =	vlt.f32 v13, $0.0e+00;
	v3 =	vld [tilespmem:s22+$0x4020];
	v9 =	vnsel vm4, $0x3F800000, v15;
	[tilespmem:s29+$0x6020] =	vst v10;
	s29 =	smov.u32 s28;
	s28 =	smov.u32 s22;
	(pc) =	sbr.rel @p0 .LBB2_23-.Ltmp10, $4  }
0x1e0: {  	vm8 =	vgt.f32 v13, $0.0e+00;
	(erf) = vrcp.f32 v9;
	v15 =	vnsel vm7, $0x0, v17  }
0x1e1: {  	vm7 =	vlt.f32 v12, $0.0e+00;
	vm9 =	vgt.f32 v12, $0.0e+00;
	v15 =	vmul.f32 v15, v16;
	v11 =	vpop (erf)  }
0x1e2: {  	vm5 =	vmor vm3, vm5;
	vm3 =	vmor vm8, vm6;
	vm6 =	vmor vm9, vm7;
	v9 =	vpop (erf)  }
0x1e3: {  	s22 =	sshra.s32 s11, $0x2;
	s11 =	sadd.s32 $0x100, s11;
	v14 =	vnsel vm5, $0x3F800000, v14;
	v13 =	vnsel vm3, $0x3F800000, v13;
	v12 =	vnsel vm6, $0x3F800000, v12;
	[tilespmem:s29+$0x6030] =	vst v15;
	v10 =	vpop (erf)  }
0x1e4: {  	v15 =	vld [tilespmem:s22+$0x30]  }
0x1e5: {  	v16 =	vld [tilespmem:s22+$0x0]  }
0x1e6: {  	v33 =	vld [tilespmem:s22+$0x10]  }
0x1e7: {  	(erf) = vrcp.f32 v14;
	v34 =	vld [tilespmem:s22+$0x20];
	v11 =	vmul.f32 s9, v11  }
0x1e8: {  	v9 =	vmul.f32 s9, v9;
	(erf) = vrcp.f32 v13  }
0x1e9: {  	vm4 =	vmmov vm4;
	v10 =	vmul.f32 s9, v10;
	(erf) = vrcp.f32 v12  }
0x1ea: {  	v11 =	vnsel vm2, $0x0, v11;
	vm7 =	vlt.f32 v15, $0.0e+00;
	vm8 =	vgt.f32 v15, $0.0e+00  }
0x1eb: {  	vm15 =	vlt.f32 v16, $0.0e+00;
	vm12 =	vgt.f32 v16, $0.0e+00;
	vm9 =	vlt.f32 v33, $0.0e+00  }
0x1ec: {  	vm10 =	vgt.f32 v33, $0.0e+00;
	vm11 =	vlt.f32 v34, $0.0e+00;
	vm8 =	vmor vm8, vm7  }
0x1ed: {  	vm13 =	vgt.f32 v34, $0.0e+00;
	vm7 =	vmor vm12, vm15;
	v35 =	vnsel vm8, $0x3F800000, v15  }
0x1ee: {  	vm2 =	vmor vm10, vm9;
	v36 =	vnsel vm7, $0x3F800000, v16;
	(erf) = vrcp.f32 v35  }
0x1ef: {  	s3 =	sadd.s32 $0x1, s3;
	vm9 =	vmor vm13, vm11;
	v37 =	vnsel vm2, $0x3F800000, v33;
	(erf) = vrcp.f32 v36  }
0x1f0: {  	vm0 =	vmmov vm0;
	s11 =	sld [smem:s3+$0x0];
	v13 =	vnsel vm9, $0x3F800000, v34;
	(erf) = vrcp.f32 v37  }
0x1f1: {  	v38 =	vld [tilespmem:s28+$0x4030];
	vm6 =	vmmov vm6;
	v9 =	vnsel vm1, $0x0, v9;
	v39 =	vpop (erf);
	(erf) = vrcp.f32 v13  }
0x1f2: {  	v41 =	vnsel vm0, $0x0, v10;
	v7 =	vmul.f32 v11, v7;
	v6 =	vmul.f32 v9, v6  }
0x1f3: {  	vm14 =	vmmov vm5;
	v8 =	vmul.f32 v41, v8;
	v11 =	vmul.f32 s11, v39  }
0x1f4: {  	s3 =	sadd.s32 $0x1, s3;
	vm15 =	vmmov vm3;
	vm11 =	vmmov vm6;
	vm10 =	vmmov vm8;
	v40 =	vpop (erf)  }
0x1f5: {  	s3 =	sld [smem:s3+$0x0];
	vm12 =	vmmov vm9;
	v43 =	vnsel vm4, $0x0, v11;
	v42 =	vpop (erf);
	v44 =	vmul.f32 s11, v40  }
0x1f6: {  	v47 =	vld [tilespmem:s22+$0x4030];
	[tilespmem:s29+$0x6000] =	vst v7;
	vm13 =	vmmov vm7;
	v9 =	vmul.f32 v43, v38;
	v10 =	vmul.f32 s11, v42;
	v45 =	vpop (erf)  }
0x1f7: {  	v48 =	vld [tilespmem:s22+$0x4000];
	[tilespmem:s29+$0x6010] =	vst v6;
	v46 =	vnsel vm14, $0x0, v44;
	v49 =	vmul.f32 s11, v45;
	vm14 =	vmmov vm2;
	v51 =	vpop (erf)  }
0x1f8: {  	v52 =	vld [tilespmem:s22+$0x4010];
	[tilespmem:s29+$0x6020] =	vst v8;
	v4 =	vmul.f32 v46, v4;
	v50 =	vnsel vm15, $0x0, v10;
	v53 =	vmul.f32 s3, v51;
	v54 =	vpop (erf)  }
0x1f9: {  	v55 =	vld [tilespmem:s22+$0x4020];
	[tilespmem:s28+$0x6030] =	vst v9;
	v5 =	vmul.f32 v50, v5;
	v6 =	vnsel vm11, $0x0, v49;
	v56 =	vpop (erf);
	v8 =	vmul.f32 s3, v54  }
0x1fa: {  	[tilespmem:s28+$0x6000] =	vst v4;
	v3 =	vmul.f32 v6, v3;
	v57 =	vnsel vm10, $0x0, v53;
	v58 =	vpop (erf);
	v59 =	vmul.f32 s3, v56  }
0x1fb: {  	[tilespmem:s28+$0x6010] =	vst v5;
	v4 =	vmul.f32 v57, v47;
	v60 =	vnsel vm13, $0x0, v8;
	v6 =	vmul.f32 s3, v58  }
0x1fc: {  	vm15 =	vmmov vm12;
	[tilespmem:s28+$0x6020] =	vst v3;
	v3 =	vmul.f32 v60, v48;
	v61 =	vnsel vm14, $0x0, v59  }
0x1fd: {  	[tilespmem:s22+$0x6030] =	vst v4;
	v62 =	vmul.f32 v61, v52;
	v63 =	vnsel vm15, $0x0, v6  }
0x1fe: {  	[tilespmem:s22+$0x6000] =	vst v3;
	v3 =	vmul.f32 v63, v55  }
0x1ff: {  	s28 =	sshll.u32 s26, $0x7;
	[tilespmem:s22+$0x6010] =	vst v62  }
0x200: {  	s19 =	sadd.s32 $0x1, s19;
	s3 =	sor.u32 s12, s28;
	[tilespmem:s22+$0x6020] =	vst v3  }
0x201: {  	p0 =	sne.s32 s19, $0x5;
	s3 =	sshrl.u32 s3, $0x3;
	s29 =	rddreg [dreg:$0x9]  }
.Ltmp11:
0x202: {  	s3 =	sadd.s32 s29, s3;
	(pc) =	sbr.rel @p0 .LBB2_22-.Ltmp11, $4  }
0x203: {  	[hbm4b:s3+s7] =	stream.strided.scatter [tilespmem:s31], [sflag:$0xA], $0x2000, s13, s7, $0x38;
	[tilespmem:$0x1DF40] =	vst v63  }
0x204: {  	_ =	swait.ge [sflag:s0], $0x2000  }
0x205: {  	[sflag:s0] =	ssyncset.done $0x0  }
0x206: {  	s18 =	sadd.s32 $0x80, s18;
	[sflag:s0] =	ssyncadd.s32 $0xFFFFE000  }
0x207: {  	s18 =	rddreg [dreg:$0x7]  }
0x208: {  	s3 =	rddreg [dreg:$0xe];
	s18 =	sadd.s32 $0x1, s18  }
0x209: {  	p0 =	sne.s32 s18, s3  }
.Ltmp12:
0x20a: {  	_ = 	snop;
	(pc) =	sbr.rel @p0 .LBB2_1-.Ltmp12, $1  }
0x20b: {  	_ =	sdelay $0x3  }
0x20c: {  	_ =	sfence.sel $0x180000  }
0x20d: {  	[bflag:$0x0] =	sbarrier.arrive $0xFFFF  }
0x20e: {  	_ =	strace $0x90000047  }
0x20f: {  	s0 =	stileid.u32;
	[bflag:$0x2] =	sbarrier.arrive $0xFFFF  }
0x210: {  	p0 =	sne.s32 s0, $0x0;
	s0 =	rddreg [dreg:$0x6]  }
0x211: {  	s0 =	sadd.s32 @!p0 $0x100000, s0  }
0x212: {  	[sflag:s0] =	ssyncadd.tile.s32 @!p0 $0x1;
	_ =	shalt  }
.Lfunc_end2:
_tile_overlayer_lowered:
.L_overlay_start_2:
0x213: {  	(tag) =	ssettag $0x2  }
0x214: {  	s0 =	rddreg [dreg:$0x0];
	s2 =	stileid.u32  }
0x215: {  	s1 =	rddreg [dreg:$0x1];
	p0 =	sne.s32 s2, $0x0  }
0x216: {  	s3 =	rddreg [dreg:$0x2];
	[bflag:$0x3] =	sbarrier.arrive $0xFFFF;
	s2 =	simm.s32 @!p0 $0x1C0A  }
0x217: {  	[timem:s3], [sflag:s2] =	dma.local @!p0 [hbm:s0], s1  }
0x218: {  	s0 =	simm.s32 @!p0 $0xA  }
0x219: {  	_ =	swait.ge @!p0 [sflag:s0], s1  }
0x21a: {  	s1 =	ssub.s32 @!p0 $0x0, s1;
	[sflag:s0] =	ssyncset.done @!p0 $0x0  }
0x21b: {  	[sflag:s0] =	ssyncadd.s32 @!p0 s1  }
0x21c: {  	[bflag:$0x3] =	sbarrier.arrive $0xFFFF  }
0x21d: {  	_ =	shalt  }

</sc_bundles>
